<compile_context>
chip_gen: v7x
topology: tpu7x:2x2x1
jax: 0.10.2.dev20260603
libtpu: 0.0.44.dev20260713+nightly
codegen_flags: <defaults>
</compile_context>

<pallas_src>
import functools

import jax
import jax.numpy as jnp
from jax import lax
from jax.experimental import pallas as pl
from jax.experimental.pallas import tpu as pltpu
from jax.experimental.pallas import tpu_sc as plsc

_NC = 2
_NS = 16
_NW = _NC * _NS
_K = 125
_BM = 2000


def _sc_scatter_partials(h, src2d, dst2d, zeros):
    n, d = h.shape
    npad = zeros.shape[0]
    _, cpw, k = src2d.shape
    rpt = npad // _NS

    def body(h_hbm, src_hbm, dst_hbm, z_hbm, out_hbm, src_v, dst_v, rows_v,
             acc_sh, sem):
        cid = lax.axis_index("c")
        sid = lax.axis_index("s")
        wid = sid * _NC + cid
        pltpu.sync_copy(z_hbm.at[pl.ds(sid * rpt, rpt)],
                        acc_sh.at[pl.ds(sid * rpt, rpt)])
        pltpu.sync_copy(src_hbm.at[wid], src_v)
        pltpu.sync_copy(dst_hbm.at[wid], dst_v)
        plsc.subcore_barrier()

        def step(j, carry):
            pltpu.async_copy(h_hbm.at[src_v.at[j]], rows_v, sem).wait()
            pltpu.sync_copy(rows_v, acc_sh.at[dst_v.at[j]], add=True)
            return carry

        lax.fori_loop(0, cpw, step, 0)
        plsc.subcore_barrier()
        row0 = cid * npad + sid * rpt
        pltpu.sync_copy(acc_sh.at[pl.ds(sid * rpt, rpt)],
                        out_hbm.at[pl.ds(row0, rpt)])

    fn = pl.kernel(
        body,
        out_type=jax.ShapeDtypeStruct((_NC * npad, d), jnp.float32),
        mesh=plsc.VectorSubcoreMesh(core_axis_name="c", subcore_axis_name="s"),
        scratch_types=[
            pltpu.VMEM((cpw, k), jnp.int32),
            pltpu.VMEM((cpw, k), jnp.int32),
            pltpu.VMEM((k, d), jnp.float32),
            pltpu.VMEM_SHARED((npad, d), jnp.float32),
            pltpu.SemaphoreType.DMA,
        ],
    )
    return fn(h, src2d, dst2d, zeros).reshape(_NC, npad, d)


def _mm_kernel(x_ref, w_ref, o_ref):
    o_ref[...] = jnp.dot(x_ref[...], w_ref[...],
                         preferred_element_type=jnp.float32)


def _relu_mm_kernel(p_ref, b_ref, w_ref, o_ref):
    t = jnp.maximum(p_ref[0] + p_ref[1] + b_ref[...], 0.0)
    o_ref[...] = jnp.dot(t, w_ref[...], preferred_element_type=jnp.float32)


def _mm_softmax_kernel(q_ref, b2_ref, wfc_ref, bfc_ref, o_ref):
    t = q_ref[0] + q_ref[1] + b2_ref[...]
    z = jnp.dot(t, wfc_ref[...],
                preferred_element_type=jnp.float32) + bfc_ref[...]
    z = z - jnp.max(z, axis=-1, keepdims=True)
    e = jnp.exp(z)
    o_ref[...] = e / jnp.sum(e, axis=-1, keepdims=True)


def kernel(x, edge_index, W1, b1, W2, b2, Wfc, bfc):
    n, d = x.shape
    e = edge_index.shape[1]
    nclass = Wfc.shape[1]
    align = 8 * _NS
    npad = (n + align - 1) // align * align
    assert e % (_NW * _K) == 0 and npad > n and n % _BM == 0

    src2d = edge_index[0].reshape(_NW, e // (_NW * _K), _K)
    dst2d = edge_index[1].reshape(_NW, e // (_NW * _K), _K)
    zeros = jnp.zeros((npad, d), jnp.float32)

    h1 = pl.pallas_call(
        _mm_kernel,
        grid=(n // _BM,),
        in_specs=[
            pl.BlockSpec((_BM, d), lambda i: (i, 0)),
            pl.BlockSpec((d, d), lambda i: (0, 0)),
        ],
        out_specs=pl.BlockSpec((_BM, d), lambda i: (i, 0)),
        out_shape=jax.ShapeDtypeStruct((n, d), jnp.float32),
    )(x, W1)

    p = _sc_scatter_partials(h1, src2d, dst2d, zeros)
    t = pl.pallas_call(
        _relu_mm_kernel,
        grid=(n // _BM,),
        in_specs=[
            pl.BlockSpec((_NC, _BM, d), lambda i: (0, i, 0)),
            pl.BlockSpec((1, d), lambda i: (0, 0)),
            pl.BlockSpec((d, d), lambda i: (0, 0)),
        ],
        out_specs=pl.BlockSpec((_BM, d), lambda i: (i, 0)),
        out_shape=jax.ShapeDtypeStruct((n, d), jnp.float32),
    )(p, b1.reshape(1, d), W2)

    q = _sc_scatter_partials(t, src2d, dst2d, zeros)
    out = pl.pallas_call(
        _mm_softmax_kernel,
        grid=(n // _BM,),
        in_specs=[
            pl.BlockSpec((_NC, _BM, d), lambda i: (0, i, 0)),
            pl.BlockSpec((1, d), lambda i: (0, 0)),
            pl.BlockSpec((d, nclass), lambda i: (0, 0)),
            pl.BlockSpec((1, nclass), lambda i: (0, 0)),
        ],
        out_specs=pl.BlockSpec((_BM, nclass), lambda i: (i, 0)),
        out_shape=jax.ShapeDtypeStruct((n, nclass), jnp.float32),
    )(q, b2.reshape(1, d), Wfc, bfc.reshape(1, nclass))
    return out

# --- scband reference (transcript-rebuilt; emitter-appended) ---
"""Pipeline reference for scband-gcn-56006373539864 (READ-ONLY COPY).

The authoritative reference and input builder live on the scoring server;
editing this copy changes nothing except your own understanding.
"""

import jax, jax.numpy as jnp
import numpy as np

N_NODES = 10000
N_EDGES = 320000
NFEAT = 128
NHID = 128
NCLASS = 64


def setup_inputs(seed: int = 0) -> dict:
    key = jax.random.key(seed)
    ks = jax.random.split(key, 9)
    x = jax.random.normal(ks[0], (N_NODES, NFEAT), dtype=jnp.float32)
    edge_index = jax.random.randint(ks[1], (2, N_EDGES), 0, N_NODES, dtype=jnp.int32)
    # GCNConv linear weights (glorot) and biases
    def glorot(k, fan_in, fan_out):
        limit = np.sqrt(6.0 / (fan_in + fan_out))
        return jax.random.uniform(k, (fan_in, fan_out), dtype=jnp.float32, minval=-limit, maxval=limit)
    W1 = glorot(ks[2], NFEAT, NHID)
    b1 = jnp.zeros((NHID,), dtype=jnp.float32)
    W2 = glorot(ks[3], NHID, NHID)
    b2 = jnp.zeros((NHID,), dtype=jnp.float32)
    Wfc = glorot(ks[4], NHID, NCLASS)
    bfc = jnp.zeros((NCLASS,), dtype=jnp.float32)
    return {"x": x, "edge_index": edge_index, "W1": W1, "b1": b1, "W2": W2, "b2": b2, "Wfc": Wfc, "bfc": bfc}


def reference(x, edge_index, W1, b1, W2, b2, Wfc, bfc):
    # GCNConv with add_self_loops=False, normalize=False:
    #   out[i] = sum_{(j->i) in E} (x[j] @ W) + bias
    src = edge_index[0]
    dst = edge_index[1]
    n = x.shape[0]

    # gc1
    h = x @ W1
    h = jax.ops.segment_sum(jnp.take(h, src, axis=0), dst, num_segments=n) + b1
    # transition: ReLU (+ Dropout, identity in eval mode)
    h = jax.nn.relu(h)
    # gc2
    h = h @ W2
    h = jax.ops.segment_sum(jnp.take(h, src, axis=0), dst, num_segments=n) + b2
    # fc + softmax
    out = h @ Wfc + bfc
    return jax.nn.softmax(out, axis=-1)

if __name__ == "__main__":
    import jax
    _d = setup_inputs()
    print(jax.jit(kernel)(*tuple(_d.values())))

</pallas_src>

<mosaic_0001>
#map = affine_map<(d0, d1) -> (0, 0)>
#map1 = affine_map<(d0, d1) -> (0, 0, 0)>
module attributes {stable_mosaic.version = 14 : i64} {
  func.func @body(%arg0: i32, %arg1: i32, %arg2: memref<10000x128xf32, #tpu.memory_space<hbm>>, %arg3: memref<32x80x125xi32, #tpu.memory_space<hbm>>, %arg4: memref<32x80x125xi32, #tpu.memory_space<hbm>>, %arg5: memref<10112x128xf32, #tpu.memory_space<hbm>>, %arg6: memref<20224x128xf32, #tpu.memory_space<hbm>>, %arg7: memref<80x125xi32, #tpu.memory_space<vmem>>, %arg8: memref<80x125xi32, #tpu.memory_space<vmem>>, %arg9: memref<125x128xf32, #tpu.memory_space<vmem>>, %arg10: memref<10112x128xf32, #tpu.memory_space<vmem_shared>>, %arg11: memref<!tpu.dma_semaphore, #tpu.memory_space<semaphore_mem>>) attributes {dimension_semantics = [#tpu.dimension_semantics<core_parallel>, #tpu.dimension_semantics<subcore_parallel>], iteration_bounds = array<i64: 2, 16>, scalar_prefetch = 0 : i64, scratch_operands = 5 : i64, tpu.core_type = #tpu.core_type<sc_vector_subcore>, window_params = [{transform_indices = #map}, {transform_indices = #map1}, {transform_indices = #map1}, {transform_indices = #map}, {transform_indices = #map}]} {
    %mul3A = arith.constant 2 : i32
    %mul3A_0 = arith.muli %arg1, %mul3A : i32
    %add3A = arith.addi %mul3A_0, %arg0 : i32
    %mul3A_1 = arith.constant 632 : i32
    %mul3A_2 = arith.muli %arg1, %mul3A_1 : i32
    %mul3A_3 = arith.constant 632 : i32
    %mul3A_4 = arith.muli %arg1, %mul3A_3 : i32
    "tpu.region"() ({
      %run_scoped3A = tpu.sem_alloc : memref<!tpu.dma_semaphore, #tpu.memory_space<semaphore_mem>>
      %dma_start3A = arith.constant 0 : i32
      %dma_start3A_18 = tpu.memref_slice %arg10[%mul3A_4, %dma_start3A] : memref<10112x128xf32, #tpu.memory_space<vmem_shared>> -> memref<632x128xf32, #tpu.memory_space<vmem_shared>>
      %dma_start3A_19 = arith.constant 0 : i32
      %dma_start3A_20 = tpu.memref_slice %arg5[%mul3A_2, %dma_start3A_19] : memref<10112x128xf32, #tpu.memory_space<hbm>> -> memref<632x128xf32, #tpu.memory_space<hbm>>
      tpu.enqueue_dma source(%dma_start3A_20 : memref<632x128xf32, #tpu.memory_space<hbm>>) target(%dma_start3A_18 : memref<632x128xf32, #tpu.memory_space<vmem_shared>>) target_semaphore(%run_scoped3A : memref<!tpu.dma_semaphore, #tpu.memory_space<semaphore_mem>>)
      %dma_wait3A = arith.constant 0 : i32
      %dma_wait3A_21 = tpu.memref_slice %arg10[%mul3A_4, %dma_wait3A] : memref<10112x128xf32, #tpu.memory_space<vmem_shared>> -> memref<632x128xf32, #tpu.memory_space<vmem_shared>>
      %dma_wait3A_22 = arith.constant 0 : i32
      %dma_wait3A_23 = tpu.memref_slice %arg5[%mul3A_2, %dma_wait3A_22] : memref<10112x128xf32, #tpu.memory_space<hbm>> -> memref<632x128xf32, #tpu.memory_space<hbm>>
      tpu.wait_dma2 semaphore(%run_scoped3A : memref<!tpu.dma_semaphore, #tpu.memory_space<semaphore_mem>>) src(%dma_wait3A_23 : memref<632x128xf32, #tpu.memory_space<hbm>>) dst(%dma_wait3A_21 : memref<632x128xf32, #tpu.memory_space<vmem_shared>>)
      tpu.yield
    }) : () -> ()
    "tpu.region"() ({
      %run_scoped3A = tpu.sem_alloc : memref<!tpu.dma_semaphore, #tpu.memory_space<semaphore_mem>>
      %dma_start3A = arith.constant 0 : i32
      %dma_start3A_18 = arith.constant 0 : i32
      %dma_start3A_19 = tpu.memref_slice %arg3[%add3A, %dma_start3A, %dma_start3A_18] : memref<32x80x125xi32, #tpu.memory_space<hbm>> -> memref<1x80x125xi32, #tpu.memory_space<hbm>>
      %dma_start3A_20 = tpu.memref_squeeze %dma_start3A_19 : memref<1x80x125xi32, #tpu.memory_space<hbm>> -> memref<80x125xi32, #tpu.memory_space<hbm>>
      %dma_start3A_21 = arith.constant 0 : i32
      %dma_start3A_22 = arith.constant 0 : i32
      %dma_start3A_23 = tpu.memref_slice %arg3[%add3A, %dma_start3A_21, %dma_start3A_22] : memref<32x80x125xi32, #tpu.memory_space<hbm>> -> memref<1x80x125xi32, #tpu.memory_space<hbm>>
      %dma_start3A_24 = tpu.memref_squeeze %dma_start3A_23 : memref<1x80x125xi32, #tpu.memory_space<hbm>> -> memref<80x125xi32, #tpu.memory_space<hbm>>
      tpu.enqueue_dma source(%dma_start3A_24 : memref<80x125xi32, #tpu.memory_space<hbm>>) target(%arg7 : memref<80x125xi32, #tpu.memory_space<vmem>>) target_semaphore(%run_scoped3A : memref<!tpu.dma_semaphore, #tpu.memory_space<semaphore_mem>>)
      %dma_wait3A = arith.constant 0 : i32
      %dma_wait3A_25 = arith.constant 0 : i32
      %dma_wait3A_26 = tpu.memref_slice %arg3[%add3A, %dma_wait3A, %dma_wait3A_25] : memref<32x80x125xi32, #tpu.memory_space<hbm>> -> memref<1x80x125xi32, #tpu.memory_space<hbm>>
      %dma_wait3A_27 = tpu.memref_squeeze %dma_wait3A_26 : memref<1x80x125xi32, #tpu.memory_space<hbm>> -> memref<80x125xi32, #tpu.memory_space<hbm>>
      %dma_wait3A_28 = arith.constant 0 : i32
      %dma_wait3A_29 = arith.constant 0 : i32
      %dma_wait3A_30 = tpu.memref_slice %arg3[%add3A, %dma_wait3A_28, %dma_wait3A_29] : memref<32x80x125xi32, #tpu.memory_space<hbm>> -> memref<1x80x125xi32, #tpu.memory_space<hbm>>
      %dma_wait3A_31 = tpu.memref_squeeze %dma_wait3A_30 : memref<1x80x125xi32, #tpu.memory_space<hbm>> -> memref<80x125xi32, #tpu.memory_space<hbm>>
      tpu.wait_dma2 semaphore(%run_scoped3A : memref<!tpu.dma_semaphore, #tpu.memory_space<semaphore_mem>>) src(%dma_wait3A_31 : memref<80x125xi32, #tpu.memory_space<hbm>>) dst(%arg7 : memref<80x125xi32, #tpu.memory_space<vmem>>)
      tpu.yield
    }) : () -> ()
    "tpu.region"() ({
      %run_scoped3A = tpu.sem_alloc : memref<!tpu.dma_semaphore, #tpu.memory_space<semaphore_mem>>
      %dma_start3A = arith.constant 0 : i32
      %dma_start3A_18 = arith.constant 0 : i32
      %dma_start3A_19 = tpu.memref_slice %arg4[%add3A, %dma_start3A, %dma_start3A_18] : memref<32x80x125xi32, #tpu.memory_space<hbm>> -> memref<1x80x125xi32, #tpu.memory_space<hbm>>
      %dma_start3A_20 = tpu.memref_squeeze %dma_start3A_19 : memref<1x80x125xi32, #tpu.memory_space<hbm>> -> memref<80x125xi32, #tpu.memory_space<hbm>>
      %dma_start3A_21 = arith.constant 0 : i32
      %dma_start3A_22 = arith.constant 0 : i32
      %dma_start3A_23 = tpu.memref_slice %arg4[%add3A, %dma_start3A_21, %dma_start3A_22] : memref<32x80x125xi32, #tpu.memory_space<hbm>> -> memref<1x80x125xi32, #tpu.memory_space<hbm>>
      %dma_start3A_24 = tpu.memref_squeeze %dma_start3A_23 : memref<1x80x125xi32, #tpu.memory_space<hbm>> -> memref<80x125xi32, #tpu.memory_space<hbm>>
      tpu.enqueue_dma source(%dma_start3A_24 : memref<80x125xi32, #tpu.memory_space<hbm>>) target(%arg8 : memref<80x125xi32, #tpu.memory_space<vmem>>) target_semaphore(%run_scoped3A : memref<!tpu.dma_semaphore, #tpu.memory_space<semaphore_mem>>)
      %dma_wait3A = arith.constant 0 : i32
      %dma_wait3A_25 = arith.constant 0 : i32
      %dma_wait3A_26 = tpu.memref_slice %arg4[%add3A, %dma_wait3A, %dma_wait3A_25] : memref<32x80x125xi32, #tpu.memory_space<hbm>> -> memref<1x80x125xi32, #tpu.memory_space<hbm>>
      %dma_wait3A_27 = tpu.memref_squeeze %dma_wait3A_26 : memref<1x80x125xi32, #tpu.memory_space<hbm>> -> memref<80x125xi32, #tpu.memory_space<hbm>>
      %dma_wait3A_28 = arith.constant 0 : i32
      %dma_wait3A_29 = arith.constant 0 : i32
      %dma_wait3A_30 = tpu.memref_slice %arg4[%add3A, %dma_wait3A_28, %dma_wait3A_29] : memref<32x80x125xi32, #tpu.memory_space<hbm>> -> memref<1x80x125xi32, #tpu.memory_space<hbm>>
      %dma_wait3A_31 = tpu.memref_squeeze %dma_wait3A_30 : memref<1x80x125xi32, #tpu.memory_space<hbm>> -> memref<80x125xi32, #tpu.memory_space<hbm>>
      tpu.wait_dma2 semaphore(%run_scoped3A : memref<!tpu.dma_semaphore, #tpu.memory_space<semaphore_mem>>) src(%dma_wait3A_31 : memref<80x125xi32, #tpu.memory_space<hbm>>) dst(%arg8 : memref<80x125xi32, #tpu.memory_space<vmem>>)
      tpu.yield
    }) : () -> ()
    %barrier3A = arith.constant 0 : index
    tpu.barrier barrier_id(%barrier3A)
    %scan3A = arith.constant 0 : i32
    %scan3A_5 = arith.constant 0 : i32
    %scan3A_6 = arith.constant 80 : i32
    %scan3A_7 = arith.addi %scan3A_5, %scan3A_6 : i32
    %scan3A_8 = arith.constant 1 : i32
    scf.for %scan3A_18 = %scan3A_5 to %scan3A_7 step %scan3A_8  : i32 {
      %dma_start3A = arith.constant 0 : i32
      %dma_start3A_19 = tpu.memref_slice %arg7[%scan3A_18, %dma_start3A] : memref<80x125xi32, #tpu.memory_space<vmem>> -> memref<1x125xi32, #tpu.memory_space<vmem>>
      %dma_start3A_20 = tpu.memref_squeeze %dma_start3A_19 : memref<1x125xi32, #tpu.memory_space<vmem>> -> memref<125xi32, #tpu.memory_space<vmem>>
      %dma_start3A_21 = arith.constant 0 : i32
      %dma_start3A_22 = arith.constant 0 : i32
      %dma_start3A_23 = tpu.memref_slice %arg2[%dma_start3A_21, %dma_start3A_22] : memref<10000x128xf32, #tpu.memory_space<hbm>> -> memref<10000x128xf32, #tpu.memory_space<hbm>>
      tpu.enqueue_indirect_dma source(%dma_start3A_23 : memref<10000x128xf32, #tpu.memory_space<hbm>>) target(%arg9 : memref<125x128xf32, #tpu.memory_space<vmem>>) offsets(%dma_start3A_20 : memref<125xi32, #tpu.memory_space<vmem>>) semaphore(%arg11 : memref<!tpu.dma_semaphore, #tpu.memory_space<semaphore_mem>>)
      %dma_wait3A = arith.constant 0 : i32
      %dma_wait3A_24 = tpu.memref_slice %arg7[%scan3A_18, %dma_wait3A] : memref<80x125xi32, #tpu.memory_space<vmem>> -> memref<1x125xi32, #tpu.memory_space<vmem>>
      %dma_wait3A_25 = tpu.memref_squeeze %dma_wait3A_24 : memref<1x125xi32, #tpu.memory_space<vmem>> -> memref<125xi32, #tpu.memory_space<vmem>>
      %dma_wait3A_26 = arith.constant 0 : i32
      %dma_wait3A_27 = arith.constant 0 : i32
      %dma_wait3A_28 = tpu.memref_slice %arg2[%dma_wait3A_26, %dma_wait3A_27] : memref<10000x128xf32, #tpu.memory_space<hbm>> -> memref<10000x128xf32, #tpu.memory_space<hbm>>
      tpu.wait_indirect_dma semaphore(%arg11 : memref<!tpu.dma_semaphore, #tpu.memory_space<semaphore_mem>>) src(%dma_wait3A_28 : memref<10000x128xf32, #tpu.memory_space<hbm>>) dst(%arg9 : memref<125x128xf32, #tpu.memory_space<vmem>>)
      "tpu.region"() ({
        %run_scoped3A = tpu.sem_alloc : memref<!tpu.dma_semaphore, #tpu.memory_space<semaphore_mem>>
        %dma_start3A_29 = arith.constant 0 : i32
        %dma_start3A_30 = tpu.memref_slice %arg8[%scan3A_18, %dma_start3A_29] : memref<80x125xi32, #tpu.memory_space<vmem>> -> memref<1x125xi32, #tpu.memory_space<vmem>>
        %dma_start3A_31 = tpu.memref_squeeze %dma_start3A_30 : memref<1x125xi32, #tpu.memory_space<vmem>> -> memref<125xi32, #tpu.memory_space<vmem>>
        %dma_start3A_32 = arith.constant 0 : i32
        %dma_start3A_33 = arith.constant 0 : i32
        %dma_start3A_34 = tpu.memref_slice %arg10[%dma_start3A_32, %dma_start3A_33] : memref<10112x128xf32, #tpu.memory_space<vmem_shared>> -> memref<10112x128xf32, #tpu.memory_space<vmem_shared>>
        tpu.enqueue_indirect_dma source(%arg9 : memref<125x128xf32, #tpu.memory_space<vmem>>) target(%dma_start3A_34 : memref<10112x128xf32, #tpu.memory_space<vmem_shared>>) offsets(%dma_start3A_31 : memref<125xi32, #tpu.memory_space<vmem>>) semaphore(%run_scoped3A : memref<!tpu.dma_semaphore, #tpu.memory_space<semaphore_mem>>) {add = true}
        %dma_wait3A_35 = arith.constant 0 : i32
        %dma_wait3A_36 = tpu.memref_slice %arg8[%scan3A_18, %dma_wait3A_35] : memref<80x125xi32, #tpu.memory_space<vmem>> -> memref<1x125xi32, #tpu.memory_space<vmem>>
        %dma_wait3A_37 = tpu.memref_squeeze %dma_wait3A_36 : memref<1x125xi32, #tpu.memory_space<vmem>> -> memref<125xi32, #tpu.memory_space<vmem>>
        %dma_wait3A_38 = arith.constant 0 : i32
        %dma_wait3A_39 = arith.constant 0 : i32
        %dma_wait3A_40 = tpu.memref_slice %arg10[%dma_wait3A_38, %dma_wait3A_39] : memref<10112x128xf32, #tpu.memory_space<vmem_shared>> -> memref<10112x128xf32, #tpu.memory_space<vmem_shared>>
        tpu.wait_indirect_dma semaphore(%run_scoped3A : memref<!tpu.dma_semaphore, #tpu.memory_space<semaphore_mem>>) src(%arg9 : memref<125x128xf32, #tpu.memory_space<vmem>>) dst(%dma_wait3A_40 : memref<10112x128xf32, #tpu.memory_space<vmem_shared>>)
        tpu.yield
      }) : () -> ()
    }
    %scan3A_9 = arith.constant 80 : i32
    %barrier3A_10 = arith.constant 0 : index
    tpu.barrier barrier_id(%barrier3A_10)
    %mul3A_11 = arith.constant 10112 : i32
    %mul3A_12 = arith.muli %arg0, %mul3A_11 : i32
    %mul3A_13 = arith.constant 632 : i32
    %mul3A_14 = arith.muli %arg1, %mul3A_13 : i32
    %add3A_15 = arith.addi %mul3A_12, %mul3A_14 : i32
    %mul3A_16 = arith.constant 632 : i32
    %mul3A_17 = arith.muli %arg1, %mul3A_16 : i32
    "tpu.region"() ({
      %run_scoped3A = tpu.sem_alloc : memref<!tpu.dma_semaphore, #tpu.memory_space<semaphore_mem>>
      %dma_start3A = arith.constant 0 : i32
      %dma_start3A_18 = tpu.memref_slice %arg6[%add3A_15, %dma_start3A] : memref<20224x128xf32, #tpu.memory_space<hbm>> -> memref<632x128xf32, #tpu.memory_space<hbm>>
      %dma_start3A_19 = arith.constant 0 : i32
      %dma_start3A_20 = tpu.memref_slice %arg10[%mul3A_17, %dma_start3A_19] : memref<10112x128xf32, #tpu.memory_space<vmem_shared>> -> memref<632x128xf32, #tpu.memory_space<vmem_shared>>
      tpu.enqueue_dma source(%dma_start3A_20 : memref<632x128xf32, #tpu.memory_space<vmem_shared>>) target(%dma_start3A_18 : memref<632x128xf32, #tpu.memory_space<hbm>>) target_semaphore(%run_scoped3A : memref<!tpu.dma_semaphore, #tpu.memory_space<semaphore_mem>>)
      %dma_wait3A = arith.constant 0 : i32
      %dma_wait3A_21 = tpu.memref_slice %arg6[%add3A_15, %dma_wait3A] : memref<20224x128xf32, #tpu.memory_space<hbm>> -> memref<632x128xf32, #tpu.memory_space<hbm>>
      %dma_wait3A_22 = arith.constant 0 : i32
      %dma_wait3A_23 = tpu.memref_slice %arg10[%mul3A_17, %dma_wait3A_22] : memref<10112x128xf32, #tpu.memory_space<vmem_shared>> -> memref<632x128xf32, #tpu.memory_space<vmem_shared>>
      tpu.wait_dma2 semaphore(%run_scoped3A : memref<!tpu.dma_semaphore, #tpu.memory_space<semaphore_mem>>) src(%dma_wait3A_23 : memref<632x128xf32, #tpu.memory_space<vmem_shared>>) dst(%dma_wait3A_21 : memref<632x128xf32, #tpu.memory_space<hbm>>)
      tpu.yield
    }) : () -> ()
    return
  }
}

#map = affine_map<(d0, d1) -> (0, 0)>
#map1 = affine_map<(d0, d1) -> (0, 0, 0)>
module attributes {stable_mosaic.version = 14 : i64} {
  func.func @body(%arg0: i32, %arg1: i32, %arg2: memref<10000x128xf32, #tpu.memory_space<hbm>>, %arg3: memref<32x80x125xi32, #tpu.memory_space<hbm>>, %arg4: memref<32x80x125xi32, #tpu.memory_space<hbm>>, %arg5: memref<10112x128xf32, #tpu.memory_space<hbm>>, %arg6: memref<20224x128xf32, #tpu.memory_space<hbm>>, %arg7: memref<80x125xi32, #tpu.memory_space<vmem>>, %arg8: memref<80x125xi32, #tpu.memory_space<vmem>>, %arg9: memref<125x128xf32, #tpu.memory_space<vmem>>, %arg10: memref<10112x128xf32, #tpu.memory_space<vmem_shared>>, %arg11: memref<!tpu.dma_semaphore, #tpu.memory_space<semaphore_mem>>) attributes {dimension_semantics = [#tpu.dimension_semantics<core_parallel>, #tpu.dimension_semantics<subcore_parallel>], iteration_bounds = array<i64: 2, 16>, scalar_prefetch = 0 : i64, scratch_operands = 5 : i64, tpu.core_type = #tpu.core_type<sc_vector_subcore>, window_params = [{transform_indices = #map}, {transform_indices = #map1}, {transform_indices = #map1}, {transform_indices = #map}, {transform_indices = #map}]} {
    %mul3A = arith.constant 2 : i32
    %mul3A_0 = arith.muli %arg1, %mul3A : i32
    %add3A = arith.addi %mul3A_0, %arg0 : i32
    %mul3A_1 = arith.constant 632 : i32
    %mul3A_2 = arith.muli %arg1, %mul3A_1 : i32
    %mul3A_3 = arith.constant 632 : i32
    %mul3A_4 = arith.muli %arg1, %mul3A_3 : i32
    "tpu.region"() ({
      %run_scoped3A = tpu.sem_alloc : memref<!tpu.dma_semaphore, #tpu.memory_space<semaphore_mem>>
      %dma_start3A = arith.constant 0 : i32
      %dma_start3A_18 = tpu.memref_slice %arg10[%mul3A_4, %dma_start3A] : memref<10112x128xf32, #tpu.memory_space<vmem_shared>> -> memref<632x128xf32, #tpu.memory_space<vmem_shared>>
      %dma_start3A_19 = arith.constant 0 : i32
      %dma_start3A_20 = tpu.memref_slice %arg5[%mul3A_2, %dma_start3A_19] : memref<10112x128xf32, #tpu.memory_space<hbm>> -> memref<632x128xf32, #tpu.memory_space<hbm>>
      tpu.enqueue_dma source(%dma_start3A_20 : memref<632x128xf32, #tpu.memory_space<hbm>>) target(%dma_start3A_18 : memref<632x128xf32, #tpu.memory_space<vmem_shared>>) target_semaphore(%run_scoped3A : memref<!tpu.dma_semaphore, #tpu.memory_space<semaphore_mem>>)
      %dma_wait3A = arith.constant 0 : i32
      %dma_wait3A_21 = tpu.memref_slice %arg10[%mul3A_4, %dma_wait3A] : memref<10112x128xf32, #tpu.memory_space<vmem_shared>> -> memref<632x128xf32, #tpu.memory_space<vmem_shared>>
      %dma_wait3A_22 = arith.constant 0 : i32
      %dma_wait3A_23 = tpu.memref_slice %arg5[%mul3A_2, %dma_wait3A_22] : memref<10112x128xf32, #tpu.memory_space<hbm>> -> memref<632x128xf32, #tpu.memory_space<hbm>>
      tpu.wait_dma2 semaphore(%run_scoped3A : memref<!tpu.dma_semaphore, #tpu.memory_space<semaphore_mem>>) src(%dma_wait3A_23 : memref<632x128xf32, #tpu.memory_space<hbm>>) dst(%dma_wait3A_21 : memref<632x128xf32, #tpu.memory_space<vmem_shared>>)
      tpu.yield
    }) : () -> ()
    "tpu.region"() ({
      %run_scoped3A = tpu.sem_alloc : memref<!tpu.dma_semaphore, #tpu.memory_space<semaphore_mem>>
      %dma_start3A = arith.constant 0 : i32
      %dma_start3A_18 = arith.constant 0 : i32
      %dma_start3A_19 = tpu.memref_slice %arg3[%add3A, %dma_start3A, %dma_start3A_18] : memref<32x80x125xi32, #tpu.memory_space<hbm>> -> memref<1x80x125xi32, #tpu.memory_space<hbm>>
      %dma_start3A_20 = tpu.memref_squeeze %dma_start3A_19 : memref<1x80x125xi32, #tpu.memory_space<hbm>> -> memref<80x125xi32, #tpu.memory_space<hbm>>
      %dma_start3A_21 = arith.constant 0 : i32
      %dma_start3A_22 = arith.constant 0 : i32
      %dma_start3A_23 = tpu.memref_slice %arg3[%add3A, %dma_start3A_21, %dma_start3A_22] : memref<32x80x125xi32, #tpu.memory_space<hbm>> -> memref<1x80x125xi32, #tpu.memory_space<hbm>>
      %dma_start3A_24 = tpu.memref_squeeze %dma_start3A_23 : memref<1x80x125xi32, #tpu.memory_space<hbm>> -> memref<80x125xi32, #tpu.memory_space<hbm>>
      tpu.enqueue_dma source(%dma_start3A_24 : memref<80x125xi32, #tpu.memory_space<hbm>>) target(%arg7 : memref<80x125xi32, #tpu.memory_space<vmem>>) target_semaphore(%run_scoped3A : memref<!tpu.dma_semaphore, #tpu.memory_space<semaphore_mem>>)
      %dma_wait3A = arith.constant 0 : i32
      %dma_wait3A_25 = arith.constant 0 : i32
      %dma_wait3A_26 = tpu.memref_slice %arg3[%add3A, %dma_wait3A, %dma_wait3A_25] : memref<32x80x125xi32, #tpu.memory_space<hbm>> -> memref<1x80x125xi32, #tpu.memory_space<hbm>>
      %dma_wait3A_27 = tpu.memref_squeeze %dma_wait3A_26 : memref<1x80x125xi32, #tpu.memory_space<hbm>> -> memref<80x125xi32, #tpu.memory_space<hbm>>
      %dma_wait3A_28 = arith.constant 0 : i32
      %dma_wait3A_29 = arith.constant 0 : i32
      %dma_wait3A_30 = tpu.memref_slice %arg3[%add3A, %dma_wait3A_28, %dma_wait3A_29] : memref<32x80x125xi32, #tpu.memory_space<hbm>> -> memref<1x80x125xi32, #tpu.memory_space<hbm>>
      %dma_wait3A_31 = tpu.memref_squeeze %dma_wait3A_30 : memref<1x80x125xi32, #tpu.memory_space<hbm>> -> memref<80x125xi32, #tpu.memory_space<hbm>>
      tpu.wait_dma2 semaphore(%run_scoped3A : memref<!tpu.dma_semaphore, #tpu.memory_space<semaphore_mem>>) src(%dma_wait3A_31 : memref<80x125xi32, #tpu.memory_space<hbm>>) dst(%arg7 : memref<80x125xi32, #tpu.memory_space<vmem>>)
      tpu.yield
    }) : () -> ()
    "tpu.region"() ({
      %run_scoped3A = tpu.sem_alloc : memref<!tpu.dma_semaphore, #tpu.memory_space<semaphore_mem>>
      %dma_start3A = arith.constant 0 : i32
      %dma_start3A_18 = arith.constant 0 : i32
      %dma_start3A_19 = tpu.memref_slice %arg4[%add3A, %dma_start3A, %dma_start3A_18] : memref<32x80x125xi32, #tpu.memory_space<hbm>> -> memref<1x80x125xi32, #tpu.memory_space<hbm>>
      %dma_start3A_20 = tpu.memref_squeeze %dma_start3A_19 : memref<1x80x125xi32, #tpu.memory_space<hbm>> -> memref<80x125xi32, #tpu.memory_space<hbm>>
      %dma_start3A_21 = arith.constant 0 : i32
      %dma_start3A_22 = arith.constant 0 : i32
      %dma_start3A_23 = tpu.memref_slice %arg4[%add3A, %dma_start3A_21, %dma_start3A_22] : memref<32x80x125xi32, #tpu.memory_space<hbm>> -> memref<1x80x125xi32, #tpu.memory_space<hbm>>
      %dma_start3A_24 = tpu.memref_squeeze %dma_start3A_23 : memref<1x80x125xi32, #tpu.memory_space<hbm>> -> memref<80x125xi32, #tpu.memory_space<hbm>>
      tpu.enqueue_dma source(%dma_start3A_24 : memref<80x125xi32, #tpu.memory_space<hbm>>) target(%arg8 : memref<80x125xi32, #tpu.memory_space<vmem>>) target_semaphore(%run_scoped3A : memref<!tpu.dma_semaphore, #tpu.memory_space<semaphore_mem>>)
      %dma_wait3A = arith.constant 0 : i32
      %dma_wait3A_25 = arith.constant 0 : i32
      %dma_wait3A_26 = tpu.memref_slice %arg4[%add3A, %dma_wait3A, %dma_wait3A_25] : memref<32x80x125xi32, #tpu.memory_space<hbm>> -> memref<1x80x125xi32, #tpu.memory_space<hbm>>
      %dma_wait3A_27 = tpu.memref_squeeze %dma_wait3A_26 : memref<1x80x125xi32, #tpu.memory_space<hbm>> -> memref<80x125xi32, #tpu.memory_space<hbm>>
      %dma_wait3A_28 = arith.constant 0 : i32
      %dma_wait3A_29 = arith.constant 0 : i32
      %dma_wait3A_30 = tpu.memref_slice %arg4[%add3A, %dma_wait3A_28, %dma_wait3A_29] : memref<32x80x125xi32, #tpu.memory_space<hbm>> -> memref<1x80x125xi32, #tpu.memory_space<hbm>>
      %dma_wait3A_31 = tpu.memref_squeeze %dma_wait3A_30 : memref<1x80x125xi32, #tpu.memory_space<hbm>> -> memref<80x125xi32, #tpu.memory_space<hbm>>
      tpu.wait_dma2 semaphore(%run_scoped3A : memref<!tpu.dma_semaphore, #tpu.memory_space<semaphore_mem>>) src(%dma_wait3A_31 : memref<80x125xi32, #tpu.memory_space<hbm>>) dst(%arg8 : memref<80x125xi32, #tpu.memory_space<vmem>>)
      tpu.yield
    }) : () -> ()
    %barrier3A = arith.constant 0 : index
    tpu.barrier barrier_id(%barrier3A)
    %scan3A = arith.constant 0 : i32
    %scan3A_5 = arith.constant 0 : i32
    %scan3A_6 = arith.constant 80 : i32
    %scan3A_7 = arith.addi %scan3A_5, %scan3A_6 : i32
    %scan3A_8 = arith.constant 1 : i32
    scf.for %scan3A_18 = %scan3A_5 to %scan3A_7 step %scan3A_8  : i32 {
      %dma_start3A = arith.constant 0 : i32
      %dma_start3A_19 = tpu.memref_slice %arg7[%scan3A_18, %dma_start3A] : memref<80x125xi32, #tpu.memory_space<vmem>> -> memref<1x125xi32, #tpu.memory_space<vmem>>
      %dma_start3A_20 = tpu.memref_squeeze %dma_start3A_19 : memref<1x125xi32, #tpu.memory_space<vmem>> -> memref<125xi32, #tpu.memory_space<vmem>>
      %dma_start3A_21 = arith.constant 0 : i32
      %dma_start3A_22 = arith.constant 0 : i32
      %dma_start3A_23 = tpu.memref_slice %arg2[%dma_start3A_21, %dma_start3A_22] : memref<10000x128xf32, #tpu.memory_space<hbm>> -> memref<10000x128xf32, #tpu.memory_space<hbm>>
      tpu.enqueue_indirect_dma source(%dma_start3A_23 : memref<10000x128xf32, #tpu.memory_space<hbm>>) target(%arg9 : memref<125x128xf32, #tpu.memory_space<vmem>>) offsets(%dma_start3A_20 : memref<125xi32, #tpu.memory_space<vmem>>) semaphore(%arg11 : memref<!tpu.dma_semaphore, #tpu.memory_space<semaphore_mem>>)
      %dma_wait3A = arith.constant 0 : i32
      %dma_wait3A_24 = tpu.memref_slice %arg7[%scan3A_18, %dma_wait3A] : memref<80x125xi32, #tpu.memory_space<vmem>> -> memref<1x125xi32, #tpu.memory_space<vmem>>
      %dma_wait3A_25 = tpu.memref_squeeze %dma_wait3A_24 : memref<1x125xi32, #tpu.memory_space<vmem>> -> memref<125xi32, #tpu.memory_space<vmem>>
      %dma_wait3A_26 = arith.constant 0 : i32
      %dma_wait3A_27 = arith.constant 0 : i32
      %dma_wait3A_28 = tpu.memref_slice %arg2[%dma_wait3A_26, %dma_wait3A_27] : memref<10000x128xf32, #tpu.memory_space<hbm>> -> memref<10000x128xf32, #tpu.memory_space<hbm>>
      tpu.wait_indirect_dma semaphore(%arg11 : memref<!tpu.dma_semaphore, #tpu.memory_space<semaphore_mem>>) src(%dma_wait3A_28 : memref<10000x128xf32, #tpu.memory_space<hbm>>) dst(%arg9 : memref<125x128xf32, #tpu.memory_space<vmem>>)
      "tpu.region"() ({
        %run_scoped3A = tpu.sem_alloc : memref<!tpu.dma_semaphore, #tpu.memory_space<semaphore_mem>>
        %dma_start3A_29 = arith.constant 0 : i32
        %dma_start3A_30 = tpu.memref_slice %arg8[%scan3A_18, %dma_start3A_29] : memref<80x125xi32, #tpu.memory_space<vmem>> -> memref<1x125xi32, #tpu.memory_space<vmem>>
        %dma_start3A_31 = tpu.memref_squeeze %dma_start3A_30 : memref<1x125xi32, #tpu.memory_space<vmem>> -> memref<125xi32, #tpu.memory_space<vmem>>
        %dma_start3A_32 = arith.constant 0 : i32
        %dma_start3A_33 = arith.constant 0 : i32
        %dma_start3A_34 = tpu.memref_slice %arg10[%dma_start3A_32, %dma_start3A_33] : memref<10112x128xf32, #tpu.memory_space<vmem_shared>> -> memref<10112x128xf32, #tpu.memory_space<vmem_shared>>
        tpu.enqueue_indirect_dma source(%arg9 : memref<125x128xf32, #tpu.memory_space<vmem>>) target(%dma_start3A_34 : memref<10112x128xf32, #tpu.memory_space<vmem_shared>>) offsets(%dma_start3A_31 : memref<125xi32, #tpu.memory_space<vmem>>) semaphore(%run_scoped3A : memref<!tpu.dma_semaphore, #tpu.memory_space<semaphore_mem>>) {add = true}
        %dma_wait3A_35 = arith.constant 0 : i32
        %dma_wait3A_36 = tpu.memref_slice %arg8[%scan3A_18, %dma_wait3A_35] : memref<80x125xi32, #tpu.memory_space<vmem>> -> memref<1x125xi32, #tpu.memory_space<vmem>>
        %dma_wait3A_37 = tpu.memref_squeeze %dma_wait3A_36 : memref<1x125xi32, #tpu.memory_space<vmem>> -> memref<125xi32, #tpu.memory_space<vmem>>
        %dma_wait3A_38 = arith.constant 0 : i32
        %dma_wait3A_39 = arith.constant 0 : i32
        %dma_wait3A_40 = tpu.memref_slice %arg10[%dma_wait3A_38, %dma_wait3A_39] : memref<10112x128xf32, #tpu.memory_space<vmem_shared>> -> memref<10112x128xf32, #tpu.memory_space<vmem_shared>>
        tpu.wait_indirect_dma semaphore(%run_scoped3A : memref<!tpu.dma_semaphore, #tpu.memory_space<semaphore_mem>>) src(%arg9 : memref<125x128xf32, #tpu.memory_space<vmem>>) dst(%dma_wait3A_40 : memref<10112x128xf32, #tpu.memory_space<vmem_shared>>)
        tpu.yield
      }) : () -> ()
    }
    %scan3A_9 = arith.constant 80 : i32
    %barrier3A_10 = arith.constant 0 : index
    tpu.barrier barrier_id(%barrier3A_10)
    %mul3A_11 = arith.constant 10112 : i32
    %mul3A_12 = arith.muli %arg0, %mul3A_11 : i32
    %mul3A_13 = arith.constant 632 : i32
    %mul3A_14 = arith.muli %arg1, %mul3A_13 : i32
    %add3A_15 = arith.addi %mul3A_12, %mul3A_14 : i32
    %mul3A_16 = arith.constant 632 : i32
    %mul3A_17 = arith.muli %arg1, %mul3A_16 : i32
    "tpu.region"() ({
      %run_scoped3A = tpu.sem_alloc : memref<!tpu.dma_semaphore, #tpu.memory_space<semaphore_mem>>
      %dma_start3A = arith.constant 0 : i32
      %dma_start3A_18 = tpu.memref_slice %arg6[%add3A_15, %dma_start3A] : memref<20224x128xf32, #tpu.memory_space<hbm>> -> memref<632x128xf32, #tpu.memory_space<hbm>>
      %dma_start3A_19 = arith.constant 0 : i32
      %dma_start3A_20 = tpu.memref_slice %arg10[%mul3A_17, %dma_start3A_19] : memref<10112x128xf32, #tpu.memory_space<vmem_shared>> -> memref<632x128xf32, #tpu.memory_space<vmem_shared>>
      tpu.enqueue_dma source(%dma_start3A_20 : memref<632x128xf32, #tpu.memory_space<vmem_shared>>) target(%dma_start3A_18 : memref<632x128xf32, #tpu.memory_space<hbm>>) target_semaphore(%run_scoped3A : memref<!tpu.dma_semaphore, #tpu.memory_space<semaphore_mem>>)
      %dma_wait3A = arith.constant 0 : i32
      %dma_wait3A_21 = tpu.memref_slice %arg6[%add3A_15, %dma_wait3A] : memref<20224x128xf32, #tpu.memory_space<hbm>> -> memref<632x128xf32, #tpu.memory_space<hbm>>
      %dma_wait3A_22 = arith.constant 0 : i32
      %dma_wait3A_23 = tpu.memref_slice %arg10[%mul3A_17, %dma_wait3A_22] : memref<10112x128xf32, #tpu.memory_space<vmem_shared>> -> memref<632x128xf32, #tpu.memory_space<vmem_shared>>
      tpu.wait_dma2 semaphore(%run_scoped3A : memref<!tpu.dma_semaphore, #tpu.memory_space<semaphore_mem>>) src(%dma_wait3A_23 : memref<632x128xf32, #tpu.memory_space<vmem_shared>>) dst(%dma_wait3A_21 : memref<632x128xf32, #tpu.memory_space<hbm>>)
      tpu.yield
    }) : () -> ()
    return
  }
}

module attributes {stable_mosaic.version = 14 : i64} {
  func.func @_mm_kernel(%arg0: i32, %arg1: memref<2000x128xf32, #tpu.memory_space<vmem>>, %arg2: memref<128x128xf32, #tpu.memory_space<vmem>>, %arg3: memref<2000x128xf32, #tpu.memory_space<vmem>>) attributes {dimension_semantics = [#tpu.dimension_semantics<arbitrary>], iteration_bounds = array<i64: 5>, scalar_prefetch = 0 : i64, scratch_operands = 0 : i64, tpu.core_type = #tpu.core_type<tc>, window_params = [{transform_indices = @transform_0, window_bounds = array<i64: 2000, 128>}, {pipeline_mode = #tpu.pipeline_mode<synchronous>, transform_indices = @transform_1, window_bounds = array<i64: 128, 128>}, {transform_indices = @transform_2, window_bounds = array<i64: 2000, 128>}]} {
    %get3A = arith.constant 0 : index
    %get3A_0 = arith.constant 0 : index
    %get3A_1 = vector.load %arg1[%get3A, %get3A_0] : memref<2000x128xf32, #tpu.memory_space<vmem>>, vector<2000x128xf32>
    %get3A_2 = arith.constant 0 : index
    %get3A_3 = arith.constant 0 : index
    %get3A_4 = vector.load %arg2[%get3A_2, %get3A_3] : memref<128x128xf32, #tpu.memory_space<vmem>>, vector<128x128xf32>
    %dot_general3A = arith.constant dense<0.000000e+00> : vector<2000x128xf32>
    %dot_general3A_5 = tpu.matmul %get3A_1, %get3A_4, %dot_general3A {dimension_numbers = #tpu.dot_dimension_numbers<[1], [0], [0], [1], [0, 0, 1, 1], [], []>, transpose_lhs_hint = false} : vector<2000x128xf32>, vector<128x128xf32>, vector<2000x128xf32> -> vector<2000x128xf32>
    %swap3A = arith.constant 0 : index
    %swap3A_6 = arith.constant 0 : index
    %swap3A_7 = vector.load %arg3[%swap3A, %swap3A_6] : memref<2000x128xf32, #tpu.memory_space<vmem>>, vector<2000x128xf32>
    tpu.vector_store %arg3[%swap3A, %swap3A_6], %dot_general3A_5 {strides = array<i32>} : memref<2000x128xf32, #tpu.memory_space<vmem>>, vector<2000x128xf32>,
    return
  }
  func.func @transform_0(%arg0: i32) -> (i32, i32) {
    %c0_i32 = arith.constant 0 : i32
    %c0_i32_0 = arith.constant 0 : i32
    return %arg0, %c0_i32 : i32, i32
  }
  func.func @transform_1(%arg0: i32) -> (i32, i32) {
    %c0_i32 = arith.constant 0 : i32
    %c0_i32_0 = arith.constant 0 : i32
    %c0_i32_1 = arith.constant 0 : i32
    return %c0_i32, %c0_i32_0 : i32, i32
  }
  func.func @transform_2(%arg0: i32) -> (i32, i32) {
    %c0_i32 = arith.constant 0 : i32
    %c0_i32_0 = arith.constant 0 : i32
    return %arg0, %c0_i32 : i32, i32
  }
}

module attributes {stable_mosaic.version = 14 : i64} {
  func.func @_relu_mm_kernel(%arg0: i32, %arg1: memref<2x2000x128xf32, #tpu.memory_space<vmem>>, %arg2: memref<1x128xf32, #tpu.memory_space<vmem>>, %arg3: memref<128x128xf32, #tpu.memory_space<vmem>>, %arg4: memref<2000x128xf32, #tpu.memory_space<vmem>>) attributes {dimension_semantics = [#tpu.dimension_semantics<arbitrary>], iteration_bounds = array<i64: 5>, scalar_prefetch = 0 : i64, scratch_operands = 0 : i64, tpu.core_type = #tpu.core_type<tc>, window_params = [{transform_indices = @transform_0, window_bounds = array<i64: 2, 2000, 128>}, {pipeline_mode = #tpu.pipeline_mode<synchronous>, transform_indices = @transform_1, window_bounds = array<i64: 1, 128>}, {pipeline_mode = #tpu.pipeline_mode<synchronous>, transform_indices = @transform_2, window_bounds = array<i64: 128, 128>}, {transform_indices = @transform_3, window_bounds = array<i64: 2000, 128>}]} {
    %get3A = arith.constant 0 : index
    %get3A_0 = arith.constant 0 : index
    %get3A_1 = arith.constant 0 : index
    %get3A_2 = vector.load %arg1[%get3A, %get3A_0, %get3A_1] : memref<2x2000x128xf32, #tpu.memory_space<vmem>>, vector<1x2000x128xf32>
    %get3A_3 = vector.shape_cast %get3A_2 : vector<1x2000x128xf32> to vector<2000x128xf32>
    %get3A_4 = arith.constant 1 : index
    %get3A_5 = arith.constant 0 : index
    %get3A_6 = arith.constant 0 : index
    %get3A_7 = vector.load %arg1[%get3A_4, %get3A_5, %get3A_6] : memref<2x2000x128xf32, #tpu.memory_space<vmem>>, vector<1x2000x128xf32>
    %get3A_8 = vector.shape_cast %get3A_7 : vector<1x2000x128xf32> to vector<2000x128xf32>
    %add3A = arith.addf %get3A_3, %get3A_8 : vector<2000x128xf32>
    %get3A_9 = arith.constant 0 : index
    %get3A_10 = arith.constant 0 : index
    %get3A_11 = vector.load %arg2[%get3A_9, %get3A_10] : memref<1x128xf32, #tpu.memory_space<vmem>>, vector<1x128xf32>
    %add3A_12 = vector.broadcast %get3A_11 : vector<1x128xf32> to vector<2000x128xf32>
    %add3A_13 = arith.addf %add3A, %add3A_12 : vector<2000x128xf32>
    %max3A = arith.constant 0.000000e+00 : f32
    %max3A_14 = vector.broadcast %max3A : f32 to vector<2000x128xf32>
    %max3A_15 = arith.maximumf %add3A_13, %max3A_14 : vector<2000x128xf32>
    %get3A_16 = arith.constant 0 : index
    %get3A_17 = arith.constant 0 : index
    %get3A_18 = vector.load %arg3[%get3A_16, %get3A_17] : memref<128x128xf32, #tpu.memory_space<vmem>>, vector<128x128xf32>
    %dot_general3A = arith.constant dense<0.000000e+00> : vector<2000x128xf32>
    %dot_general3A_19 = tpu.matmul %max3A_15, %get3A_18, %dot_general3A {dimension_numbers = #tpu.dot_dimension_numbers<[1], [0], [0], [1], [0, 0, 1, 1], [], []>, transpose_lhs_hint = false} : vector<2000x128xf32>, vector<128x128xf32>, vector<2000x128xf32> -> vector<2000x128xf32>
    %swap3A = arith.constant 0 : index
    %swap3A_20 = arith.constant 0 : index
    %swap3A_21 = vector.load %arg4[%swap3A, %swap3A_20] : memref<2000x128xf32, #tpu.memory_space<vmem>>, vector<2000x128xf32>
    tpu.vector_store %arg4[%swap3A, %swap3A_20], %dot_general3A_19 {strides = array<i32>} : memref<2000x128xf32, #tpu.memory_space<vmem>>, vector<2000x128xf32>,
    return
  }
  func.func @transform_0(%arg0: i32) -> (i32, i32, i32) {
    %c0_i32 = arith.constant 0 : i32
    %c0_i32_0 = arith.constant 0 : i32
    %c0_i32_1 = arith.constant 0 : i32
    return %c0_i32, %arg0, %c0_i32_0 : i32, i32, i32
  }
  func.func @transform_1(%arg0: i32) -> (i32, i32) {
    %c0_i32 = arith.constant 0 : i32
    %c0_i32_0 = arith.constant 0 : i32
    %c0_i32_1 = arith.constant 0 : i32
    return %c0_i32, %c0_i32_0 : i32, i32
  }
  func.func @transform_2(%arg0: i32) -> (i32, i32) {
    %c0_i32 = arith.constant 0 : i32
    %c0_i32_0 = arith.constant 0 : i32
    %c0_i32_1 = arith.constant 0 : i32
    return %c0_i32, %c0_i32_0 : i32, i32
  }
  func.func @transform_3(%arg0: i32) -> (i32, i32) {
    %c0_i32 = arith.constant 0 : i32
    %c0_i32_0 = arith.constant 0 : i32
    return %arg0, %c0_i32 : i32, i32
  }
}

module attributes {stable_mosaic.version = 14 : i64} {
  func.func @_mm_softmax_kernel(%arg0: i32, %arg1: memref<2x2000x128xf32, #tpu.memory_space<vmem>>, %arg2: memref<1x128xf32, #tpu.memory_space<vmem>>, %arg3: memref<128x64xf32, #tpu.memory_space<vmem>>, %arg4: memref<1x64xf32, #tpu.memory_space<vmem>>, %arg5: memref<2000x64xf32, #tpu.memory_space<vmem>>) attributes {dimension_semantics = [#tpu.dimension_semantics<arbitrary>], iteration_bounds = array<i64: 5>, scalar_prefetch = 0 : i64, scratch_operands = 0 : i64, tpu.core_type = #tpu.core_type<tc>, window_params = [{transform_indices = @transform_0, window_bounds = array<i64: 2, 2000, 128>}, {pipeline_mode = #tpu.pipeline_mode<synchronous>, transform_indices = @transform_1, window_bounds = array<i64: 1, 128>}, {pipeline_mode = #tpu.pipeline_mode<synchronous>, transform_indices = @transform_2, window_bounds = array<i64: 128, 64>}, {pipeline_mode = #tpu.pipeline_mode<synchronous>, transform_indices = @transform_3, window_bounds = array<i64: 1, 64>}, {transform_indices = @transform_4, window_bounds = array<i64: 2000, 64>}]} {
    %get3A = arith.constant 0 : index
    %get3A_0 = arith.constant 0 : index
    %get3A_1 = arith.constant 0 : index
    %get3A_2 = vector.load %arg1[%get3A, %get3A_0, %get3A_1] : memref<2x2000x128xf32, #tpu.memory_space<vmem>>, vector<1x2000x128xf32>
    %get3A_3 = vector.shape_cast %get3A_2 : vector<1x2000x128xf32> to vector<2000x128xf32>
    %get3A_4 = arith.constant 1 : index
    %get3A_5 = arith.constant 0 : index
    %get3A_6 = arith.constant 0 : index
    %get3A_7 = vector.load %arg1[%get3A_4, %get3A_5, %get3A_6] : memref<2x2000x128xf32, #tpu.memory_space<vmem>>, vector<1x2000x128xf32>
    %get3A_8 = vector.shape_cast %get3A_7 : vector<1x2000x128xf32> to vector<2000x128xf32>
    %add3A = arith.addf %get3A_3, %get3A_8 : vector<2000x128xf32>
    %get3A_9 = arith.constant 0 : index
    %get3A_10 = arith.constant 0 : index
    %get3A_11 = vector.load %arg2[%get3A_9, %get3A_10] : memref<1x128xf32, #tpu.memory_space<vmem>>, vector<1x128xf32>
    %add3A_12 = vector.broadcast %get3A_11 : vector<1x128xf32> to vector<2000x128xf32>
    %add3A_13 = arith.addf %add3A, %add3A_12 : vector<2000x128xf32>
    %get3A_14 = arith.constant 0 : index
    %get3A_15 = arith.constant 0 : index
    %get3A_16 = vector.load %arg3[%get3A_14, %get3A_15] : memref<128x64xf32, #tpu.memory_space<vmem>>, vector<128x64xf32>
    %dot_general3A = arith.constant dense<0.000000e+00> : vector<2000x64xf32>
    %dot_general3A_17 = tpu.matmul %add3A_13, %get3A_16, %dot_general3A {dimension_numbers = #tpu.dot_dimension_numbers<[1], [0], [0], [1], [0, 0, 1, 1], [], []>, transpose_lhs_hint = false} : vector<2000x128xf32>, vector<128x64xf32>, vector<2000x64xf32> -> vector<2000x64xf32>
    %get3A_18 = arith.constant 0 : index
    %get3A_19 = arith.constant 0 : index
    %get3A_20 = vector.load %arg4[%get3A_18, %get3A_19] : memref<1x64xf32, #tpu.memory_space<vmem>>, vector<1x64xf32>
    %add3A_21 = vector.broadcast %get3A_20 : vector<1x64xf32> to vector<2000x64xf32>
    %add3A_22 = arith.addf %dot_general3A_17, %add3A_21 : vector<2000x64xf32>
    %reduce_max3A = arith.constant dense<0xFF800000> : vector<2000xf32>
    %reduce_max3A_23 = vector.multi_reduction <maximumf>, %add3A_22, %reduce_max3A [1] : vector<2000x64xf32> to vector<2000xf32>
    %broadcast_in_dim3A = vector.shape_cast %reduce_max3A_23 : vector<2000xf32> to vector<2000x1xf32>
    %sub3A = vector.broadcast %broadcast_in_dim3A : vector<2000x1xf32> to vector<2000x64xf32>
    %sub3A_24 = arith.subf %add3A_22, %sub3A : vector<2000x64xf32>
    %exp3A = math.exp %sub3A_24 : vector<2000x64xf32>
    %reduce_sum3A = arith.constant dense<0.000000e+00> : vector<2000xf32>
    %reduce_sum3A_25 = vector.multi_reduction <add>, %exp3A, %reduce_sum3A [1] : vector<2000x64xf32> to vector<2000xf32>
    %broadcast_in_dim3A_26 = vector.shape_cast %reduce_sum3A_25 : vector<2000xf32> to vector<2000x1xf32>
    %div3A = vector.broadcast %broadcast_in_dim3A_26 : vector<2000x1xf32> to vector<2000x64xf32>
    %div3A_27 = arith.divf %exp3A, %div3A : vector<2000x64xf32>
    %swap3A = arith.constant 0 : index
    %swap3A_28 = arith.constant 0 : index
    %swap3A_29 = vector.load %arg5[%swap3A, %swap3A_28] : memref<2000x64xf32, #tpu.memory_space<vmem>>, vector<2000x64xf32>
    tpu.vector_store %arg5[%swap3A, %swap3A_28], %div3A_27 {strides = array<i32>} : memref<2000x64xf32, #tpu.memory_space<vmem>>, vector<2000x64xf32>,
    return
  }
  func.func @transform_0(%arg0: i32) -> (i32, i32, i32) {
    %c0_i32 = arith.constant 0 : i32
    %c0_i32_0 = arith.constant 0 : i32
    %c0_i32_1 = arith.constant 0 : i32
    return %c0_i32, %arg0, %c0_i32_0 : i32, i32, i32
  }
  func.func @transform_1(%arg0: i32) -> (i32, i32) {
    %c0_i32 = arith.constant 0 : i32
    %c0_i32_0 = arith.constant 0 : i32
    %c0_i32_1 = arith.constant 0 : i32
    return %c0_i32, %c0_i32_0 : i32, i32
  }
  func.func @transform_2(%arg0: i32) -> (i32, i32) {
    %c0_i32 = arith.constant 0 : i32
    %c0_i32_0 = arith.constant 0 : i32
    %c0_i32_1 = arith.constant 0 : i32
    return %c0_i32, %c0_i32_0 : i32, i32
  }
  func.func @transform_3(%arg0: i32) -> (i32, i32) {
    %c0_i32 = arith.constant 0 : i32
    %c0_i32_0 = arith.constant 0 : i32
    %c0_i32_1 = arith.constant 0 : i32
    return %c0_i32, %c0_i32_0 : i32, i32
  }
  func.func @transform_4(%arg0: i32) -> (i32, i32) {
    %c0_i32 = arith.constant 0 : i32
    %c0_i32_0 = arith.constant 0 : i32
    return %arg0, %c0_i32 : i32, i32
  }
}

</mosaic_0001>

<sc_bundles>
// kernel: kernel.10.cloned.1.call-start
scs
__scs_entry_jumppad:
0x0: {  	(pc) =	sbr.rel $0x88, $3  }
0x1: {  	(tag) =	ssettag $0x0;
	lr =	simm.s32 $0x1  }
0x2: {  	[smem:$0x3F99] =	sst lr;
	_ =	strace $0xD0000000  }
0x3: {  	_ = 	snop  }
0x4: {  	_ = 	snop  }
0x5: {  	_ = 	snop  }
0x6: {  	_ = 	snop  }
0x7: {  	_ = 	snop  }
__scs_overlays_trampoline_lowered:
0x8: {  	[smem:$0x3FA8] =	sst s0  }
0x9: {  	[smem:$0x3FA9] =	sst s1  }
0xa: {  	[smem:$0x3FAA] =	sst s2  }
0xb: {  	[smem:$0x3FAB] =	sst s3  }
0xc: {  	[smem:$0x3FAC] =	sst s4  }
0xd: {  	[smem:$0x3FAD] =	sst s5  }
0xe: {  	[smem:$0x3FAE] =	sst s6  }
0xf: {  	[smem:$0x3FAF] =	sst s7  }
0x10: {  	[smem:$0x3FB0] =	sst s8  }
0x11: {  	[smem:$0x3FB1] =	sst s9;
	s0 =	simm.s32 @!p0 $0x0  }
0x12: {  	s1 =	sld [smem:$0x3F97];
	s0 =	simm.s32 @p0 $0x1  }
0x13: {  	[smem:$0x3FB2] =	sst s0;
	s0 =	simm.s32 @!p1 $0x0  }
0x14: {  	s2 =	sld [smem:$0x3F96];
	s0 =	simm.s32 @p1 $0x1  }
0x15: {  	[smem:$0x3FB3] =	sst s0;
	s0 =	simm.s32 @!p2 $0x0  }
0x16: {  	s3 =	sld [smem:$0x3FDB];
	s0 =	simm.s32 @p2 $0x1  }
0x17: {  	s4 =	simm.s32 $0x1BF5;
	[smem:$0x3FB5] =	sst s0  }
0x18: {  	s0 =	sld [smem:$0x3F98];
	_ =	swait.ge [sflag:s4], $0x0  }
0x19: {  	s7 =	sld [smem:$0x3F99]  }
0x1a: {  	s8 =	sadd.s32 $0xFFFFE003, lr  }
0x1b: {  	s9 =	sadd.s32 $0xFFFFFEF7, lr;
	s5 =	simm.s32 $0xFFFFFFFF;
	p2 =	slt.u32 s8, $0xFFFFF086  }
0x1c: {  	p1 =	slt.u32 s9, $0xF7A;
	s5 =	simm.s32 @!p2 $0x0  }
0x1d: {  	s5 =	simm.s32 @p1 $0x1;
	p0 =	seq.s32 s7, s2  }
0x1e: {  	s7 =	smul.u32 @!p0 $0xF7A, s2;
	p2 =	seq.s32 @!p0 s5, $0x0  }
0x1f: {  	s9 =	smul.u32 $0xF7A, s1;
	s8 =	simm.s32 @!p0 $0x1BF5;
	p2 =	por !p2, p0  }
0x20: {  	[sflag:s8] =	ssyncset.s32 @!p0 $0xFFFFF086;
	s6 =	sadd.s32 @!p0 s3, s7;
	s7 =	simm.s32 @!p0 $0x108  }
0x21: {  	s3 =	sadd.s32 s3, s9;
	s6 =	sadd.s32 @!p0 $0x88, s6;
	s7 =	simm.s32 @p2 $0x1082  }
0x22: {  	[simem:s7], [sflag:s8] =	dma.local @!p0 [hbm:s6], $0xF7A  }
0x23: {  	s9 =	sor.u32 $0xD0000000, s2;
	s6 =	simm.s32 $0x108;
	_ =	swait.ge @!p0 [sflag:s8], $0x0  }
0x24: {  	s3 =	sadd.s32 $0x88, s3;
	s6 =	simm.s32 @!p1 $0x1082;
	[sflag:s4] =	ssyncset.s32 $0xFFFFF086  }
0x25: {  	[simem:s6], [sflag:s4] =	dma.local [hbm:s3], $0xF7A  }
0x26: {  	[smem:$0x3F99] =	sst s1;
	(tag) =	ssettag s2;
	_ =	strace s9  }
0x27: {  	s1 =	sld [smem:$0x3FA9]  }
0x28: {  	s2 =	sld [smem:$0x3FAA]  }
0x29: {  	s4 =	sld [smem:$0x3FAC]  }
0x2a: {  	p0 =	seq.s32 s5, $0x0;
	s5 =	sld [smem:$0x3FAD]  }
0x2b: {  	s6 =	sld [smem:$0x3FAE]  }
0x2c: {  	s7 =	sld [smem:$0x3FAF]  }
0x2d: {  	s3 =	simm.s32 $0x108;
	s8 =	sld [smem:$0x3FB0]  }
0x2e: {  	s3 =	simm.s32 @!p0 $0x1082;
	s9 =	sld [smem:$0x3FB1]  }
0x2f: {  	lr =	sadd.s32 s0, s3;
	s0 =	sld [smem:$0x3FA8]  }
0x30: {  	s3 =	sld [smem:$0x3FAB]  }
0x31: {  	[smem:$0x3FB4] =	sst s10  }
0x32: {  	s10 =	sld [smem:$0x3FB2];
	_ =	sdelay $0x3  }
0x33: {  	p0 =	seq.s32 s10, $0x1;
	s10 =	sld [smem:$0x3FB4];
	_ =	sdelay $0x3  }
0x34: {  	[smem:$0x3FB4] =	sst s10  }
0x35: {  	s10 =	sld [smem:$0x3FB3];
	_ =	sdelay $0x3  }
0x36: {  	p1 =	seq.s32 s10, $0x1;
	s10 =	sld [smem:$0x3FB4];
	_ =	sdelay $0x3  }
0x37: {  	[smem:$0x3FB4] =	sst s10  }
0x38: {  	s10 =	sld [smem:$0x3FB5]  }
0x39: {  	_ = 	snop;
	(pc) =	sbr.ind lr, $3  }
0x3a: {  	_ = 	snop  }
0x3b: {  	_ = 	snop  }
0x3c: {  	p2 =	seq.s32 s10, $0x1;
	s10 =	sld [smem:$0x3FB4]  }
0x3d: {  	_ =	shalt  }
0x3e: {  	_ =	shalt  }
0x3f: {  	_ =	shalt  }
0x40: {  	_ =	shalt  }
0x41: {  	_ =	shalt  }
0x42: {  	_ =	shalt  }
0x43: {  	_ =	shalt  }
0x44: {  	_ =	shalt  }
0x45: {  	_ =	shalt  }
0x46: {  	_ =	shalt  }
0x47: {  	_ =	shalt  }
0x48: {  	_ =	shalt  }
0x49: {  	_ =	shalt  }
0x4a: {  	_ =	shalt  }
0x4b: {  	_ =	shalt  }
0x4c: {  	_ =	shalt  }
0x4d: {  	_ =	shalt  }
0x4e: {  	_ =	shalt  }
0x4f: {  	_ =	shalt  }
0x50: {  	_ =	shalt  }
0x51: {  	_ =	shalt  }
0x52: {  	_ =	shalt  }
0x53: {  	_ =	shalt  }
0x54: {  	_ =	shalt  }
0x55: {  	_ =	shalt  }
0x56: {  	_ =	shalt  }
0x57: {  	_ =	shalt  }
0x58: {  	_ =	shalt  }
0x59: {  	_ =	shalt  }
0x5a: {  	_ =	shalt  }
0x5b: {  	_ =	shalt  }
0x5c: {  	_ =	shalt  }
0x5d: {  	_ =	shalt  }
0x5e: {  	_ =	shalt  }
0x5f: {  	_ =	shalt  }
0x60: {  	_ =	shalt  }
0x61: {  	_ =	shalt  }
0x62: {  	_ =	shalt  }
0x63: {  	_ =	shalt  }
0x64: {  	_ =	shalt  }
0x65: {  	_ =	shalt  }
0x66: {  	_ =	shalt  }
0x67: {  	_ =	shalt  }
0x68: {  	_ =	shalt  }
0x69: {  	_ =	shalt  }
0x6a: {  	_ =	shalt  }
0x6b: {  	_ =	shalt  }
0x6c: {  	_ =	shalt  }
0x6d: {  	_ =	shalt  }
0x6e: {  	_ =	shalt  }
0x6f: {  	_ =	shalt  }
0x70: {  	_ =	shalt  }
0x71: {  	_ =	shalt  }
0x72: {  	_ =	shalt  }
0x73: {  	_ =	shalt  }
0x74: {  	_ =	shalt  }
0x75: {  	_ =	shalt  }
0x76: {  	_ =	shalt  }
0x77: {  	_ =	shalt  }
0x78: {  	_ =	shalt  }
0x79: {  	_ =	shalt  }
0x7a: {  	_ =	shalt  }
0x7b: {  	_ =	shalt  }
0x7c: {  	_ =	shalt  }
0x7d: {  	_ =	shalt  }
0x7e: {  	_ =	shalt  }
0x7f: {  	_ =	shalt  }
0x80: {  	_ =	shalt  }
0x81: {  	_ =	shalt  }
0x82: {  	_ =	shalt  }
0x83: {  	_ =	shalt  }
0x84: {  	_ =	shalt  }
0x85: {  	_ =	shalt  }
0x86: {  	_ =	shalt  }
0x87: {  	_ =	shalt  }
.Lfunc_end0:
.L_simem_size_0:
called_computation.1_lowered:
.L_overlay_start_0:
0x88: {  	s2 =	sld [smem:$0x3FD9]  }
0x89: {  	s3 =	sld [smem:$0x3FFE];
	_ =	sdelay $0x1  }
0x8a: {  	s1 =	srdreg.scid  }
0x8b: {  	s0 =	sand.u32 $0x1, s1  }
0x8c: {  	s17 =	sshll.u32 s0, $0xA;
	s2 =	sadd.s32 s3, s2  }
0x8d: {  	s2 =	sadd.s32 s2, s17  }
0x8e: {  	[smem:$0x3FC0] =	sst s2  }
0x8f: {  	_ = 	snop  }
0x90: {  	s2 =	sld [smem:$0x3FD0];
	(tm) =	ssettm $0x1  }
0x91: {  	s18 =	sld [smem:$0x3FFB];
	_ =	sdelay $0x3  }
0x92: {  	_ =	strace s18  }
0x93: {  	s3 =	sld [smem:$0x3FFC];
	_ =	sdelay $0x3  }
0x94: {  	_ =	strace s3  }
0x95: {  	s3 =	sld [smem:$0x3FFD];
	_ =	sdelay $0x3  }
0x96: {  	_ =	strace s3  }
0x97: {  	_ =	strace $0x8FFFFFFF  }
0x98: {  	s19 =	sld [smem:$0x3FDB];
	_ =	sdelay $0x1  }
0x99: {  	s4 =	simm.s32 $_scs_section_size  }
0x9a: {  	s5 =	simm.s32 $_size__tile_overlayer_lowered;
	s6 =	simm.s32 $_tile_overlayer_lowered  }
0x9b: {  	s22 =	simm.s32 $0x1BFF;
	s21 =	sshll.u32 s6, $0x1;
	s3 =	sadd.s32 s4, s19  }
0x9c: {  	s7 =	simm.s32 $0x0;
	s20 =	sshll.u32 s5, $0x1;
	s5 =	sadd.s32 s21, s3  }
0x9d: {  	[timem:s7], [sflag:s22] =	dma.local [hbm:s5], s20  }
0x9e: {  	_ =	swait.ge [sflag:s22], s20  }
0x9f: {  	s4 =	ssub.s32 $0x0, s20;
	[sflag:s22] =	ssyncset.done $0x0  }
0xa0: {  	[sflag:s22] =	ssyncadd.s32 s4;
	_ =	sdelay $0x1  }
0xa1: {  	s23 =	simm.s32 $0x1B8B  }
0xa2: {  	_ =	swait.ge [sflag:s23], $0x1  }
0xa3: {  	[sflag:s23] =	ssyncset.done $0x0  }
0xa4: {  	s25 =	simm.s32 $0x1B8E;
	s24 =	sld [smem:$0x3FFE];
	[sflag:s23] =	ssyncadd.s32 $0xFFFFFFFF  }
0xa5: {  	s26 =	simm.s32 $execute0_lowered;
	[smem:$0x3FD2] =	sst s25  }
0xa6: {  	s5 =	sshll.u32 s26, $0x1;
	_ =	strace $0x80000049;
	[dreg:$0x1] =	wrdreg $0xFFFFFFFF  }
0xa7: {  	s28 =	simm.s32 $_size_execute0_lowered;
	s3 =	sadd.s32 s3, s5;
	[dreg:$0x0] =	wrdreg $0x0  }
0xa8: {  	s5 =	sshll.u32 s28, $0x1;
	[dreg:$0x2] =	wrdreg s3  }
0xa9: {  	[dreg:$0x3] =	wrdreg s5  }
0xaa: {  	[dreg:$0x4] =	wrdreg $0xC0  }
0xab: {  	_ =	task [dreg:s7], $0x5FFFF  }
0xac: {  	[dreg:$0x1] =	wrdreg $0xFFFFFFFF  }
0xad: {  	[dreg:$0x0] =	wrdreg $0x60  }
0xae: {  	[dreg:$0x2] =	wrdreg s24  }
0xaf: {  	[dreg:$0x3] =	wrdreg s2  }
0xb0: {  	[dreg:$0x4] =	wrdreg $0x90000  }
0xb1: {  	[dreg:$0x5] =	wrdreg $0x9  }
0xb2: {  	_ =	task.clear_ibuf [dreg:s7], $0x6FFFF;
	_ =	strace $0x90000049  }
0xb3: {  	s29 =	simm.s32 $0x9;
	_ =	strace $0x8000004B  }
0xb4: {  	_ =	swait.ge [sflag:s29], $0x1  }
0xb5: {  	[sflag:s29] =	ssyncadd.s32 $0xFFFFFFFF  }
0xb6: {  	_ =	strace $0x9000004B  }
0xb7: {  	_ =	sfence  }
0xb8: {  	s30 =	sld [smem:$0x0];
	_ =	sdelay $0x2  }
0xb9: {  	s31 =	sshll.u32 s1, $0xD;
	s1 =	sshrl.u32 s1, $0x2  }
0xba: {  	s3 =	sand.u32 $0x4000, s31;
	s1 =	sadd.s32 s1, s30  }
0xbb: {  	s0 =	sor.u32 s3, s0;
	s1 =	sshll.u32 s1, $0x11  }
0xbc: {  	s0 =	sor.u32 s1, s0  }
0xbd: {  	s0 =	sadd.s32 $0x8F2B, s0  }
0xbe: {  	[sflag:s0] =	ssyncadd.remote.s32 $0x1  }
0xbf: {  	_ =	sfence.sel $0xFFFF  }
0xc0: {  	[dreg:$0x0] =	wrdreg $0xFFFFFFFF;
	(pc) =	sbr.abs _section_cstart, $3  }
0xc1: {  	[dreg:$0x1] =	wrdreg $0xFFFFFFFF  }
0xc2: {  	_ =	task.clear_ibuf [dreg:s7], $0x2FFFF;
	_ =	strace $0x9FFFFFFF  }
0xc3: {  	(tm) =	ssettm $0x7FFFFFFF  }
tec
execute0_lowered:
.L_overlay_start_1:
0x0: {  	(tag) =	ssettag $0x1  }
0x1: {  	s5 =	rddreg [dreg:$0x0];
	s1 =	srdreg.scid  }
0x2: {  	s0 =	stileid.u32;
	s7 =	rddreg [dreg:$0x1]  }
0x3: {  	s2 =	rddreg [dreg:$0x2];
	s3 =	simm.s32 $0x0;
	s14 =	simm.s32 $0x7D  }
0x4: {  	s15 =	simm.s32 $0x5000;
	s16 =	simm.s32 $0x1;
	s17 =	simm.s32 $0x0  }
0x5: {  	s6 =	sand.u32 $0x1, s1;
	s1 =	rddreg [dreg:$0x3];
	s9 =	smul.u32 $0x2780, s0  }
0x6: {  	s28 =	sshll.u32 s0, $0x1;
	[smem:$0x7FF] =	sst s3;
	s12 =	smul.u32 $0x4F000, s0  }
0x7: {  	s31 =	sshll.u32 s0, $0x6;
	s4 =	sor.u32 s6, s28;
	s10 =	smul.u32 $0x27800, s6  }
0x8: {  	_ =	strace $0x8000004A;
	s6 =	ssub.s32 $0x2, s6;
	s8 =	smul.u32 $0x500, s4  }
0x9: {  	s4 =	sadd.s32 $0xB600, s5;
	s13 =	sadd.s32 s9, s5;
	s29 =	sshrl.u32 s6, $0x1  }
0xa: {  	s30 =	sshrl.u32 s12, $0x2;
	s9 =	sadd.s32 s9, s10;
	s10 =	ssub.s32 s6, s29  }
0xb: {  	s12 =	sadd.s32 s30, s2;
	s6 =	sor.u32 $0x1C02, s31;
	s11 =	sadd.s32 s8, s5  }
0xc: {  	s9 =	sadd.s32 s9, s5;
	s5 =	sadd.s32 $0x32800, s13;
	s7 =	sadd.s32 s7, s8  }
0xd: {  	s10 =	smax.u32 s10, $0x1;
	s13 =	simm.s32 $0x2800;
	s8 =	sadd.s32 $0x1600, s11  }
0xe: {  	s9 =	sadd.s32 $0x5A000, s9;
	s11 =	sshrl.u32 s12, $0x3;
	s12 =	simm.s32 $0x2  }
.LBB2_1:
0xf: {  	[spmem:s11], [sflag:s6] =	dma.local [hbm:s5], $0x2780  }
0x10: {  	_ =	swait.ge [sflag:s12], $0x2780  }
0x11: {  	[sflag:s12] =	ssyncset.done $0x0  }
0x12: {  	[sflag:s12] =	ssyncadd.s32 $0xFFFFD880  }
0x13: {  	[tilespmem:s3], [sflag:$0x2] =	stream.linear.gather [hbm4b:s7+s3], $0x2800, $0x38;
	[tilespmem:$0x1CC00] =	vst v63  }
0x14: {  	_ =	swait.ge [sflag:s12], $0x2800  }
0x15: {  	[sflag:s12] =	ssyncset.done $0x0  }
0x16: {  	[sflag:s12] =	ssyncadd.s32 $0xFFFFD800  }
0x17: {  	[tilespmem:s13], [sflag:$0x2] =	stream.linear.gather [hbm4b:s8+s3], $0x2800, $0x38;
	[tilespmem:$0x1CC00] =	vst v63  }
0x18: {  	_ =	swait.ge [sflag:s12], $0x2800  }
0x19: {  	[sflag:s12] =	ssyncset.done $0x0  }
0x1a: {  	[sflag:s12] =	ssyncadd.s32 $0xFFFFD800  }
0x1b: {  	s18 =	simm.s32 $0x0;
	[bflag:$0x0] =	sbarrier.arrive $0xFFFF  }
0x1c: {  	[tilespmem:s15], [sflag:$0x1] =	stream.indirect.gather [hbm4b:s4+s14], $0x80, s18, s14, $0xb8;
	[tilespmem:$0x1CC00] =	vst v63  }
0x1d: {  	_ =	swait.ge [sflag:s16], $0x3E80  }
0x1e: {  	[sflag:s16] =	ssyncset.done $0x0  }
0x1f: {  	s31 =	simm.s32 $0x2800;
	[sflag:s16] =	ssyncadd.s32 $0xFFFFC180  }
0x20: {  	[spmem:s2] =	stream.indirect.scatter.add.f32 [tilespmem:s15], [sflag:$0x2], $0x80, s31, s14, $0xb8;
	[tilespmem:$0x1CC00] =	vst v63  }
0x21: {  	_ =	swait.ge [sflag:s12], $0x3E80  }
0x22: {  	s19 =	simm.s32 $0x400;
	s18 =	simm.s32 $0x200;
	[sflag:s12] =	ssyncset.done $0x0  }
.LBB2_2:
0x23: {  	s20 =	sshra.s32 s18, $0x2  }
0x24: {  	[sflag:s12] =	ssyncadd.s32 $0xFFFFC180;
	s18 =	smov.u32 s19;
	s21 =	sadd.s32 $0x200, s19  }
0x25: {  	[tilespmem:s15], [sflag:$0x1] =	stream.indirect.gather [hbm4b:s4+s14], $0x80, s20, s14, $0xb8;
	[tilespmem:$0x1CC00] =	vst v63  }
0x26: {  	p0 =	sne.s32 s19, $0x9E00;
	_ =	swait.ge [sflag:s16], $0x3E80  }
.Ltmp0:
0x27: {  	[sflag:s16] =	ssyncset.done $0x0;
	(pc) =	sbr.rel @p0 .LBB2_2-.Ltmp0, $4  }
0x28: {  	s19 =	sadd.s32 $0x2800, s20;
	[sflag:s16] =	ssyncadd.s32 $0xFFFFC180  }
0x29: {  	[spmem:s2] =	stream.indirect.scatter.add.f32 [tilespmem:s15], [sflag:$0x2], $0x80, s19, s14, $0xb8;
	[tilespmem:$0x1CC00] =	vst v63  }
0x2a: {  	_ =	swait.ge [sflag:s12], $0x3E80  }
0x2b: {  	s19 =	smov.u32 s21;
	[sflag:s12] =	ssyncset.done $0x0  }
0x2c: {  	s18 =	sshra.s32 s18, $0x2;
	[sflag:s12] =	ssyncadd.s32 $0xFFFFC180  }
0x2d: {  	[tilespmem:s15], [sflag:$0x1] =	stream.indirect.gather [hbm4b:s4+s14], $0x80, s18, s14, $0xb8;
	[tilespmem:$0x1CC00] =	vst v63  }
0x2e: {  	_ =	swait.ge [sflag:s16], $0x3E80  }
0x2f: {  	[sflag:s16] =	ssyncset.done $0x0  }
0x30: {  	s18 =	sadd.s32 $0x2800, s18;
	[sflag:s16] =	ssyncadd.s32 $0xFFFFC180  }
0x31: {  	[spmem:s2] =	stream.indirect.scatter.add.f32 [tilespmem:s15], [sflag:$0x2], $0x80, s18, s14, $0xb8;
	[tilespmem:$0x1CC00] =	vst v63  }
0x32: {  	_ =	swait.ge [sflag:s12], $0x3E80  }
0x33: {  	s17 =	sadd.s32 $0x1, s17;
	[sflag:s12] =	ssyncset.done $0x0  }
0x34: {  	p0 =	sne.s32 s17, s10;
	[sflag:s12] =	ssyncadd.s32 $0xFFFFC180  }
.Ltmp1:
0x35: {  	[bflag:$0x0] =	sbarrier.arrive $0xFFFF;
	(pc) =	sbr.rel @p0 .LBB2_1-.Ltmp1, $4  }
0x36: {  	[hbm:s9], [sflag:s6] =	dma.local [spmem:s11], $0x2780  }
0x37: {  	_ =	swait.ge [sflag:s12], $0x2780  }
0x38: {  	[sflag:s12] =	ssyncset.done $0x0  }
0x39: {  	[sflag:s12] =	ssyncadd.s32 $0xFFFFD880  }
0x3a: {  	_ =	sfence.sel $0x180000  }
0x3b: {  	[bflag:$0x0] =	sbarrier.arrive $0xFFFF  }
0x3c: {  	p0 =	sne.s32 s0, $0x0;
	_ =	strace $0x9000004A  }
0x3d: {  	s0 =	sadd.s32 @!p0 $0x100000, s1;
	[bflag:$0x2] =	sbarrier.arrive $0xFFFF  }
0x3e: {  	[sflag:s0] =	ssyncadd.tile.s32 @!p0 $0x1;
	_ =	shalt  }
.Lfunc_end2:
_tile_overlayer_lowered:
.L_overlay_start_2:
0x3f: {  	(tag) =	ssettag $0x2  }
0x40: {  	s0 =	rddreg [dreg:$0x0];
	s2 =	stileid.u32  }
0x41: {  	s1 =	rddreg [dreg:$0x1];
	p0 =	sne.s32 s2, $0x0  }
0x42: {  	s3 =	rddreg [dreg:$0x2];
	[bflag:$0x3] =	sbarrier.arrive $0xFFFF;
	s2 =	simm.s32 @!p0 $0x1C02  }
0x43: {  	[timem:s3], [sflag:s2] =	dma.local @!p0 [hbm:s0], s1  }
0x44: {  	s0 =	simm.s32 @!p0 $0x2  }
0x45: {  	_ =	swait.ge @!p0 [sflag:s0], s1  }
0x46: {  	s1 =	ssub.s32 @!p0 $0x0, s1;
	[sflag:s0] =	ssyncset.done @!p0 $0x0  }
0x47: {  	[sflag:s0] =	ssyncadd.s32 @!p0 s1  }
0x48: {  	[bflag:$0x3] =	sbarrier.arrive $0xFFFF  }
0x49: {  	_ =	shalt  }

// kernel: kernel.7.cloned.1.call-start
scs
__scs_entry_jumppad:
0x0: {  	(pc) =	sbr.rel $0x88, $3  }
0x1: {  	(tag) =	ssettag $0x0;
	lr =	simm.s32 $0x1  }
0x2: {  	[smem:$0x3F99] =	sst lr;
	_ =	strace $0xD0000000  }
0x3: {  	_ = 	snop  }
0x4: {  	_ = 	snop  }
0x5: {  	_ = 	snop  }
0x6: {  	_ = 	snop  }
0x7: {  	_ = 	snop  }
__scs_overlays_trampoline_lowered:
0x8: {  	[smem:$0x3FA8] =	sst s0  }
0x9: {  	[smem:$0x3FA9] =	sst s1  }
0xa: {  	[smem:$0x3FAA] =	sst s2  }
0xb: {  	[smem:$0x3FAB] =	sst s3  }
0xc: {  	[smem:$0x3FAC] =	sst s4  }
0xd: {  	[smem:$0x3FAD] =	sst s5  }
0xe: {  	[smem:$0x3FAE] =	sst s6  }
0xf: {  	[smem:$0x3FAF] =	sst s7  }
0x10: {  	[smem:$0x3FB0] =	sst s8  }
0x11: {  	[smem:$0x3FB1] =	sst s9;
	s0 =	simm.s32 @!p0 $0x0  }
0x12: {  	s1 =	sld [smem:$0x3F97];
	s0 =	simm.s32 @p0 $0x1  }
0x13: {  	[smem:$0x3FB2] =	sst s0;
	s0 =	simm.s32 @!p1 $0x0  }
0x14: {  	s2 =	sld [smem:$0x3F96];
	s0 =	simm.s32 @p1 $0x1  }
0x15: {  	[smem:$0x3FB3] =	sst s0;
	s0 =	simm.s32 @!p2 $0x0  }
0x16: {  	s3 =	sld [smem:$0x3FDB];
	s0 =	simm.s32 @p2 $0x1  }
0x17: {  	s4 =	simm.s32 $0x1BF5;
	[smem:$0x3FB5] =	sst s0  }
0x18: {  	s0 =	sld [smem:$0x3F98];
	_ =	swait.ge [sflag:s4], $0x0  }
0x19: {  	s7 =	sld [smem:$0x3F99]  }
0x1a: {  	s8 =	sadd.s32 $0xFFFFE003, lr  }
0x1b: {  	s9 =	sadd.s32 $0xFFFFFEF7, lr;
	s5 =	simm.s32 $0xFFFFFFFF;
	p2 =	slt.u32 s8, $0xFFFFF086  }
0x1c: {  	p1 =	slt.u32 s9, $0xF7A;
	s5 =	simm.s32 @!p2 $0x0  }
0x1d: {  	s5 =	simm.s32 @p1 $0x1;
	p0 =	seq.s32 s7, s2  }
0x1e: {  	s7 =	smul.u32 @!p0 $0xF7A, s2;
	p2 =	seq.s32 @!p0 s5, $0x0  }
0x1f: {  	s9 =	smul.u32 $0xF7A, s1;
	s8 =	simm.s32 @!p0 $0x1BF5;
	p2 =	por !p2, p0  }
0x20: {  	[sflag:s8] =	ssyncset.s32 @!p0 $0xFFFFF086;
	s6 =	sadd.s32 @!p0 s3, s7;
	s7 =	simm.s32 @!p0 $0x108  }
0x21: {  	s3 =	sadd.s32 s3, s9;
	s6 =	sadd.s32 @!p0 $0x88, s6;
	s7 =	simm.s32 @p2 $0x1082  }
0x22: {  	[simem:s7], [sflag:s8] =	dma.local @!p0 [hbm:s6], $0xF7A  }
0x23: {  	s9 =	sor.u32 $0xD0000000, s2;
	s6 =	simm.s32 $0x108;
	_ =	swait.ge @!p0 [sflag:s8], $0x0  }
0x24: {  	s3 =	sadd.s32 $0x88, s3;
	s6 =	simm.s32 @!p1 $0x1082;
	[sflag:s4] =	ssyncset.s32 $0xFFFFF086  }
0x25: {  	[simem:s6], [sflag:s4] =	dma.local [hbm:s3], $0xF7A  }
0x26: {  	[smem:$0x3F99] =	sst s1;
	(tag) =	ssettag s2;
	_ =	strace s9  }
0x27: {  	s1 =	sld [smem:$0x3FA9]  }
0x28: {  	s2 =	sld [smem:$0x3FAA]  }
0x29: {  	s4 =	sld [smem:$0x3FAC]  }
0x2a: {  	p0 =	seq.s32 s5, $0x0;
	s5 =	sld [smem:$0x3FAD]  }
0x2b: {  	s6 =	sld [smem:$0x3FAE]  }
0x2c: {  	s7 =	sld [smem:$0x3FAF]  }
0x2d: {  	s3 =	simm.s32 $0x108;
	s8 =	sld [smem:$0x3FB0]  }
0x2e: {  	s3 =	simm.s32 @!p0 $0x1082;
	s9 =	sld [smem:$0x3FB1]  }
0x2f: {  	lr =	sadd.s32 s0, s3;
	s0 =	sld [smem:$0x3FA8]  }
0x30: {  	s3 =	sld [smem:$0x3FAB]  }
0x31: {  	[smem:$0x3FB4] =	sst s10  }
0x32: {  	s10 =	sld [smem:$0x3FB2];
	_ =	sdelay $0x3  }
0x33: {  	p0 =	seq.s32 s10, $0x1;
	s10 =	sld [smem:$0x3FB4];
	_ =	sdelay $0x3  }
0x34: {  	[smem:$0x3FB4] =	sst s10  }
0x35: {  	s10 =	sld [smem:$0x3FB3];
	_ =	sdelay $0x3  }
0x36: {  	p1 =	seq.s32 s10, $0x1;
	s10 =	sld [smem:$0x3FB4];
	_ =	sdelay $0x3  }
0x37: {  	[smem:$0x3FB4] =	sst s10  }
0x38: {  	s10 =	sld [smem:$0x3FB5]  }
0x39: {  	_ = 	snop;
	(pc) =	sbr.ind lr, $3  }
0x3a: {  	_ = 	snop  }
0x3b: {  	_ = 	snop  }
0x3c: {  	p2 =	seq.s32 s10, $0x1;
	s10 =	sld [smem:$0x3FB4]  }
0x3d: {  	_ =	shalt  }
0x3e: {  	_ =	shalt  }
0x3f: {  	_ =	shalt  }
0x40: {  	_ =	shalt  }
0x41: {  	_ =	shalt  }
0x42: {  	_ =	shalt  }
0x43: {  	_ =	shalt  }
0x44: {  	_ =	shalt  }
0x45: {  	_ =	shalt  }
0x46: {  	_ =	shalt  }
0x47: {  	_ =	shalt  }
0x48: {  	_ =	shalt  }
0x49: {  	_ =	shalt  }
0x4a: {  	_ =	shalt  }
0x4b: {  	_ =	shalt  }
0x4c: {  	_ =	shalt  }
0x4d: {  	_ =	shalt  }
0x4e: {  	_ =	shalt  }
0x4f: {  	_ =	shalt  }
0x50: {  	_ =	shalt  }
0x51: {  	_ =	shalt  }
0x52: {  	_ =	shalt  }
0x53: {  	_ =	shalt  }
0x54: {  	_ =	shalt  }
0x55: {  	_ =	shalt  }
0x56: {  	_ =	shalt  }
0x57: {  	_ =	shalt  }
0x58: {  	_ =	shalt  }
0x59: {  	_ =	shalt  }
0x5a: {  	_ =	shalt  }
0x5b: {  	_ =	shalt  }
0x5c: {  	_ =	shalt  }
0x5d: {  	_ =	shalt  }
0x5e: {  	_ =	shalt  }
0x5f: {  	_ =	shalt  }
0x60: {  	_ =	shalt  }
0x61: {  	_ =	shalt  }
0x62: {  	_ =	shalt  }
0x63: {  	_ =	shalt  }
0x64: {  	_ =	shalt  }
0x65: {  	_ =	shalt  }
0x66: {  	_ =	shalt  }
0x67: {  	_ =	shalt  }
0x68: {  	_ =	shalt  }
0x69: {  	_ =	shalt  }
0x6a: {  	_ =	shalt  }
0x6b: {  	_ =	shalt  }
0x6c: {  	_ =	shalt  }
0x6d: {  	_ =	shalt  }
0x6e: {  	_ =	shalt  }
0x6f: {  	_ =	shalt  }
0x70: {  	_ =	shalt  }
0x71: {  	_ =	shalt  }
0x72: {  	_ =	shalt  }
0x73: {  	_ =	shalt  }
0x74: {  	_ =	shalt  }
0x75: {  	_ =	shalt  }
0x76: {  	_ =	shalt  }
0x77: {  	_ =	shalt  }
0x78: {  	_ =	shalt  }
0x79: {  	_ =	shalt  }
0x7a: {  	_ =	shalt  }
0x7b: {  	_ =	shalt  }
0x7c: {  	_ =	shalt  }
0x7d: {  	_ =	shalt  }
0x7e: {  	_ =	shalt  }
0x7f: {  	_ =	shalt  }
0x80: {  	_ =	shalt  }
0x81: {  	_ =	shalt  }
0x82: {  	_ =	shalt  }
0x83: {  	_ =	shalt  }
0x84: {  	_ =	shalt  }
0x85: {  	_ =	shalt  }
0x86: {  	_ =	shalt  }
0x87: {  	_ =	shalt  }
.Lfunc_end0:
.L_simem_size_0:
called_computation_lowered:
.L_overlay_start_0:
0x88: {  	s2 =	sld [smem:$0x3FD9]  }
0x89: {  	s3 =	sld [smem:$0x3FFE];
	_ =	sdelay $0x1  }
0x8a: {  	s1 =	srdreg.scid  }
0x8b: {  	s0 =	sand.u32 $0x1, s1  }
0x8c: {  	s17 =	sshll.u32 s0, $0xA;
	s2 =	sadd.s32 s3, s2  }
0x8d: {  	s2 =	sadd.s32 s2, s17  }
0x8e: {  	[smem:$0x3FC0] =	sst s2  }
0x8f: {  	_ = 	snop  }
0x90: {  	s2 =	sld [smem:$0x3FD0];
	(tm) =	ssettm $0x1  }
0x91: {  	s18 =	sld [smem:$0x3FFB];
	_ =	sdelay $0x3  }
0x92: {  	_ =	strace s18  }
0x93: {  	s3 =	sld [smem:$0x3FFC];
	_ =	sdelay $0x3  }
0x94: {  	_ =	strace s3  }
0x95: {  	s3 =	sld [smem:$0x3FFD];
	_ =	sdelay $0x3  }
0x96: {  	_ =	strace s3  }
0x97: {  	_ =	strace $0x8FFFFFFF  }
0x98: {  	s19 =	sld [smem:$0x3FDB];
	_ =	sdelay $0x1  }
0x99: {  	s4 =	simm.s32 $_scs_section_size  }
0x9a: {  	s5 =	simm.s32 $_size__tile_overlayer_lowered;
	s6 =	simm.s32 $_tile_overlayer_lowered  }
0x9b: {  	s22 =	simm.s32 $0x1BFF;
	s21 =	sshll.u32 s6, $0x1;
	s3 =	sadd.s32 s4, s19  }
0x9c: {  	s7 =	simm.s32 $0x0;
	s20 =	sshll.u32 s5, $0x1;
	s5 =	sadd.s32 s21, s3  }
0x9d: {  	[timem:s7], [sflag:s22] =	dma.local [hbm:s5], s20  }
0x9e: {  	_ =	swait.ge [sflag:s22], s20  }
0x9f: {  	s4 =	ssub.s32 $0x0, s20;
	[sflag:s22] =	ssyncset.done $0x0  }
0xa0: {  	[sflag:s22] =	ssyncadd.s32 s4;
	_ =	sdelay $0x1  }
0xa1: {  	s23 =	simm.s32 $0x1B8B  }
0xa2: {  	_ =	swait.ge [sflag:s23], $0x1  }
0xa3: {  	[sflag:s23] =	ssyncset.done $0x0  }
0xa4: {  	s25 =	simm.s32 $0x1B8E;
	s24 =	sld [smem:$0x3FFE];
	[sflag:s23] =	ssyncadd.s32 $0xFFFFFFFF  }
0xa5: {  	s26 =	simm.s32 $execute0_lowered;
	[smem:$0x3FD2] =	sst s25  }
0xa6: {  	s5 =	sshll.u32 s26, $0x1;
	_ =	strace $0x80000046;
	[dreg:$0x1] =	wrdreg $0xFFFFFFFF  }
0xa7: {  	s28 =	simm.s32 $_size_execute0_lowered;
	s3 =	sadd.s32 s3, s5;
	[dreg:$0x0] =	wrdreg $0x0  }
0xa8: {  	s5 =	sshll.u32 s28, $0x1;
	[dreg:$0x2] =	wrdreg s3  }
0xa9: {  	[dreg:$0x3] =	wrdreg s5  }
0xaa: {  	[dreg:$0x4] =	wrdreg $0xC0  }
0xab: {  	_ =	task [dreg:s7], $0x5FFFF  }
0xac: {  	[dreg:$0x1] =	wrdreg $0xFFFFFFFF  }
0xad: {  	[dreg:$0x0] =	wrdreg $0x60  }
0xae: {  	[dreg:$0x2] =	wrdreg s24  }
0xaf: {  	[dreg:$0x3] =	wrdreg s2  }
0xb0: {  	[dreg:$0x4] =	wrdreg $0x90000  }
0xb1: {  	[dreg:$0x5] =	wrdreg $0x9  }
0xb2: {  	_ =	task.clear_ibuf [dreg:s7], $0x6FFFF;
	_ =	strace $0x90000046  }
0xb3: {  	s29 =	simm.s32 $0x9;
	_ =	strace $0x80000048  }
0xb4: {  	_ =	swait.ge [sflag:s29], $0x1  }
0xb5: {  	[sflag:s29] =	ssyncadd.s32 $0xFFFFFFFF  }
0xb6: {  	_ =	strace $0x90000048  }
0xb7: {  	_ =	sfence  }
0xb8: {  	s30 =	sld [smem:$0x0];
	_ =	sdelay $0x2  }
0xb9: {  	s31 =	sshll.u32 s1, $0xD;
	s1 =	sshrl.u32 s1, $0x2  }
0xba: {  	s3 =	sand.u32 $0x4000, s31;
	s1 =	sadd.s32 s1, s30  }
0xbb: {  	s0 =	sor.u32 s3, s0;
	s1 =	sshll.u32 s1, $0x11  }
0xbc: {  	s0 =	sor.u32 s1, s0  }
0xbd: {  	s0 =	sadd.s32 $0x8F2B, s0  }
0xbe: {  	[sflag:s0] =	ssyncadd.remote.s32 $0x1  }
0xbf: {  	_ =	sfence.sel $0xFFFF  }
0xc0: {  	[dreg:$0x0] =	wrdreg $0xFFFFFFFF;
	(pc) =	sbr.abs _section_cstart, $3  }
0xc1: {  	[dreg:$0x1] =	wrdreg $0xFFFFFFFF  }
0xc2: {  	_ =	task.clear_ibuf [dreg:s7], $0x2FFFF;
	_ =	strace $0x9FFFFFFF  }
0xc3: {  	(tm) =	ssettm $0x7FFFFFFF  }
tec
execute0_lowered:
.L_overlay_start_1:
0x0: {  	(tag) =	ssettag $0x1  }
0x1: {  	s5 =	rddreg [dreg:$0x0];
	s1 =	srdreg.scid  }
0x2: {  	s0 =	stileid.u32;
	s7 =	rddreg [dreg:$0x1]  }
0x3: {  	s2 =	rddreg [dreg:$0x2];
	s3 =	simm.s32 $0x0;
	s14 =	simm.s32 $0x7D  }
0x4: {  	s15 =	simm.s32 $0x5000;
	s16 =	simm.s32 $0x1;
	s17 =	simm.s32 $0x0  }
0x5: {  	s6 =	sand.u32 $0x1, s1;
	s1 =	rddreg [dreg:$0x3];
	s9 =	smul.u32 $0x2780, s0  }
0x6: {  	s28 =	sshll.u32 s0, $0x1;
	[smem:$0x7FF] =	sst s3;
	s12 =	smul.u32 $0x4F000, s0  }
0x7: {  	s31 =	sshll.u32 s0, $0x6;
	s4 =	sor.u32 s6, s28;
	s10 =	smul.u32 $0x27800, s6  }
0x8: {  	_ =	strace $0x80000047;
	s6 =	ssub.s32 $0x2, s6;
	s8 =	smul.u32 $0x500, s4  }
0x9: {  	s4 =	sadd.s32 $0xB600, s5;
	s13 =	sadd.s32 s9, s5;
	s29 =	sshrl.u32 s6, $0x1  }
0xa: {  	s30 =	sshrl.u32 s12, $0x2;
	s9 =	sadd.s32 s9, s10;
	s10 =	ssub.s32 s6, s29  }
0xb: {  	s12 =	sadd.s32 s30, s2;
	s6 =	sor.u32 $0x1C02, s31;
	s11 =	sadd.s32 s8, s5  }
0xc: {  	s9 =	sadd.s32 s9, s5;
	s5 =	sadd.s32 $0x32800, s13;
	s7 =	sadd.s32 s7, s8  }
0xd: {  	s10 =	smax.u32 s10, $0x1;
	s13 =	simm.s32 $0x2800;
	s8 =	sadd.s32 $0x1600, s11  }
0xe: {  	s9 =	sadd.s32 $0x5A000, s9;
	s11 =	sshrl.u32 s12, $0x3;
	s12 =	simm.s32 $0x2  }
.LBB2_1:
0xf: {  	[spmem:s11], [sflag:s6] =	dma.local [hbm:s5], $0x2780  }
0x10: {  	_ =	swait.ge [sflag:s12], $0x2780  }
0x11: {  	[sflag:s12] =	ssyncset.done $0x0  }
0x12: {  	[sflag:s12] =	ssyncadd.s32 $0xFFFFD880  }
0x13: {  	[tilespmem:s3], [sflag:$0x2] =	stream.linear.gather [hbm4b:s7+s3], $0x2800, $0x38;
	[tilespmem:$0x1CC00] =	vst v63  }
0x14: {  	_ =	swait.ge [sflag:s12], $0x2800  }
0x15: {  	[sflag:s12] =	ssyncset.done $0x0  }
0x16: {  	[sflag:s12] =	ssyncadd.s32 $0xFFFFD800  }
0x17: {  	[tilespmem:s13], [sflag:$0x2] =	stream.linear.gather [hbm4b:s8+s3], $0x2800, $0x38;
	[tilespmem:$0x1CC00] =	vst v63  }
0x18: {  	_ =	swait.ge [sflag:s12], $0x2800  }
0x19: {  	[sflag:s12] =	ssyncset.done $0x0  }
0x1a: {  	[sflag:s12] =	ssyncadd.s32 $0xFFFFD800  }
0x1b: {  	s18 =	simm.s32 $0x0;
	[bflag:$0x0] =	sbarrier.arrive $0xFFFF  }
0x1c: {  	[tilespmem:s15], [sflag:$0x1] =	stream.indirect.gather [hbm4b:s4+s14], $0x80, s18, s14, $0xb8;
	[tilespmem:$0x1CC00] =	vst v63  }
0x1d: {  	_ =	swait.ge [sflag:s16], $0x3E80  }
0x1e: {  	[sflag:s16] =	ssyncset.done $0x0  }
0x1f: {  	s31 =	simm.s32 $0x2800;
	[sflag:s16] =	ssyncadd.s32 $0xFFFFC180  }
0x20: {  	[spmem:s2] =	stream.indirect.scatter.add.f32 [tilespmem:s15], [sflag:$0x2], $0x80, s31, s14, $0xb8;
	[tilespmem:$0x1CC00] =	vst v63  }
0x21: {  	_ =	swait.ge [sflag:s12], $0x3E80  }
0x22: {  	s19 =	simm.s32 $0x400;
	s18 =	simm.s32 $0x200;
	[sflag:s12] =	ssyncset.done $0x0  }
.LBB2_2:
0x23: {  	s20 =	sshra.s32 s18, $0x2  }
0x24: {  	[sflag:s12] =	ssyncadd.s32 $0xFFFFC180;
	s18 =	smov.u32 s19;
	s21 =	sadd.s32 $0x200, s19  }
0x25: {  	[tilespmem:s15], [sflag:$0x1] =	stream.indirect.gather [hbm4b:s4+s14], $0x80, s20, s14, $0xb8;
	[tilespmem:$0x1CC00] =	vst v63  }
0x26: {  	p0 =	sne.s32 s19, $0x9E00;
	_ =	swait.ge [sflag:s16], $0x3E80  }
.Ltmp0:
0x27: {  	[sflag:s16] =	ssyncset.done $0x0;
	(pc) =	sbr.rel @p0 .LBB2_2-.Ltmp0, $4  }
0x28: {  	s19 =	sadd.s32 $0x2800, s20;
	[sflag:s16] =	ssyncadd.s32 $0xFFFFC180  }
0x29: {  	[spmem:s2] =	stream.indirect.scatter.add.f32 [tilespmem:s15], [sflag:$0x2], $0x80, s19, s14, $0xb8;
	[tilespmem:$0x1CC00] =	vst v63  }
0x2a: {  	_ =	swait.ge [sflag:s12], $0x3E80  }
0x2b: {  	s19 =	smov.u32 s21;
	[sflag:s12] =	ssyncset.done $0x0  }
0x2c: {  	s18 =	sshra.s32 s18, $0x2;
	[sflag:s12] =	ssyncadd.s32 $0xFFFFC180  }
0x2d: {  	[tilespmem:s15], [sflag:$0x1] =	stream.indirect.gather [hbm4b:s4+s14], $0x80, s18, s14, $0xb8;
	[tilespmem:$0x1CC00] =	vst v63  }
0x2e: {  	_ =	swait.ge [sflag:s16], $0x3E80  }
0x2f: {  	[sflag:s16] =	ssyncset.done $0x0  }
0x30: {  	s18 =	sadd.s32 $0x2800, s18;
	[sflag:s16] =	ssyncadd.s32 $0xFFFFC180  }
0x31: {  	[spmem:s2] =	stream.indirect.scatter.add.f32 [tilespmem:s15], [sflag:$0x2], $0x80, s18, s14, $0xb8;
	[tilespmem:$0x1CC00] =	vst v63  }
0x32: {  	_ =	swait.ge [sflag:s12], $0x3E80  }
0x33: {  	s17 =	sadd.s32 $0x1, s17;
	[sflag:s12] =	ssyncset.done $0x0  }
0x34: {  	p0 =	sne.s32 s17, s10;
	[sflag:s12] =	ssyncadd.s32 $0xFFFFC180  }
.Ltmp1:
0x35: {  	[bflag:$0x0] =	sbarrier.arrive $0xFFFF;
	(pc) =	sbr.rel @p0 .LBB2_1-.Ltmp1, $4  }
0x36: {  	[hbm:s9], [sflag:s6] =	dma.local [spmem:s11], $0x2780  }
0x37: {  	_ =	swait.ge [sflag:s12], $0x2780  }
0x38: {  	[sflag:s12] =	ssyncset.done $0x0  }
0x39: {  	[sflag:s12] =	ssyncadd.s32 $0xFFFFD880  }
0x3a: {  	_ =	sfence.sel $0x180000  }
0x3b: {  	[bflag:$0x0] =	sbarrier.arrive $0xFFFF  }
0x3c: {  	p0 =	sne.s32 s0, $0x0;
	_ =	strace $0x90000047  }
0x3d: {  	s0 =	sadd.s32 @!p0 $0x100000, s1;
	[bflag:$0x2] =	sbarrier.arrive $0xFFFF  }
0x3e: {  	[sflag:s0] =	ssyncadd.tile.s32 @!p0 $0x1;
	_ =	shalt  }
.Lfunc_end2:
_tile_overlayer_lowered:
.L_overlay_start_2:
0x3f: {  	(tag) =	ssettag $0x2  }
0x40: {  	s0 =	rddreg [dreg:$0x0];
	s2 =	stileid.u32  }
0x41: {  	s1 =	rddreg [dreg:$0x1];
	p0 =	sne.s32 s2, $0x0  }
0x42: {  	s3 =	rddreg [dreg:$0x2];
	[bflag:$0x3] =	sbarrier.arrive $0xFFFF;
	s2 =	simm.s32 @!p0 $0x1C02  }
0x43: {  	[timem:s3], [sflag:s2] =	dma.local @!p0 [hbm:s0], s1  }
0x44: {  	s0 =	simm.s32 @!p0 $0x2  }
0x45: {  	_ =	swait.ge @!p0 [sflag:s0], s1  }
0x46: {  	s1 =	ssub.s32 @!p0 $0x0, s1;
	[sflag:s0] =	ssyncset.done @!p0 $0x0  }
0x47: {  	[sflag:s0] =	ssyncadd.s32 @!p0 s1  }
0x48: {  	[bflag:$0x3] =	sbarrier.arrive $0xFFFF  }
0x49: {  	_ =	shalt  }

</sc_bundles>
